<compile_context>
chip_gen: v7x
topology: tpu7x:2x2x1
jax: 0.10.2.dev20260603
libtpu: 0.0.44.dev20260713+nightly
codegen_flags: <defaults>
</compile_context>

<pallas_src>
import jax
import jax.numpy as jnp
import numpy as np
from jax import lax
from jax.experimental import pallas as pl
from jax.experimental.pallas import tpu as pltpu
from jax.experimental.pallas import tpu_sc as plsc

N = 10000
NPAD = 10016
K = 64
OUTW = 48
ROWW = 128
NC, NS = 2, 16
NW = NC * NS
NB = 2
EC = NB * K
NGRP = EC // 128
NCHUNK = N // NB
TT = 158
SCALE = 0.1

_PAT = np.zeros((8, 128), np.int32)
_PAT[0:3, :16] = (3 * (np.arange(OUTW) // 12)
                  + np.arange(OUTW) % 3).reshape(3, 16)
_PAT[4, :16] = np.arange(16)


def _body(x_hbm, e_hbm, c_hbm, pat_hbm, out_hbm,
          c_v, idx0, idx1, xiidx0, xiidx1, xi0, xi1, rows0, rows1,
          ost0, ost1, s_v, pat_v,
          sI0, sI1, sX0, sX1, sG0, sG1, sO0, sO1):
  wid = lax.axis_index("s") * NC + lax.axis_index("c")
  nch = (NCHUNK - wid + NW - 1) // NW

  idx_v = [idx0, idx1]
  xiidx = [xiidx0, xiidx1]
  xi_v = [xi0, xi1]
  rows_v = [rows0, rows1]
  ost_v = [ost0, ost1]
  sI = [sI0, sI1]
  sX = [sX0, sX1]
  sG = [sG0, sG1]
  sO = [sO0, sO1]

  pltpu.sync_copy(c_hbm, c_v)
  pltpu.sync_copy(pat_hbm, pat_v)

  ib = [pat_v[r, pl.ds(0, 16)] for r in range(3)]
  zv = pat_v[3, pl.ds(0, 16)]
  iv = pat_v[4, pl.ds(0, 16)]

  def chunk_of(t):
    return wid + jnp.minimum(t, nch - 1) * NW

  def start_ix(t, b):
    ch = chunk_of(t)
    pltpu.make_async_copy(
        e_hbm.at[pl.ds(ch * EC, EC)], idx_v[b], sI[b]).start()
    xiidx[b][:] = iv + ch * NB
    pltpu.make_async_copy(x_hbm.at[xiidx[b]], xi_v[b], sX[b]).start()

  def wait_ix_sem(b):
    pltpu.make_async_copy(
        e_hbm.at[pl.ds(0, EC)], idx_v[b], sI[b]).wait()
    pltpu.make_async_copy(x_hbm.at[xiidx[b]], xi_v[b], sX[b]).wait()

  def start_gather(b):
    for g in range(NGRP):
      pltpu.make_async_copy(
          x_hbm.at[idx_v[b].at[pl.ds(g * 128, 128)]],
          rows_v[b].at[pl.ds(g * 128, 128)], sG[b]).start()

  def wait_gather(b):
    for g in range(NGRP):
      pltpu.make_async_copy(
          x_hbm.at[idx_v[b].at[pl.ds(g * 128, 128)]],
          rows_v[b].at[pl.ds(g * 128, 128)], sG[b]).wait()

  def start_out(t, b):
    n0 = chunk_of(t) * NB
    pltpu.make_async_copy(ost_v[b], out_hbm.at[0, pl.ds(n0, NB)],
                          sO[b]).start()

  def wait_out(b):
    pltpu.make_async_copy(ost_v[b], out_hbm.at[0, pl.ds(0, NB)],
                          sO[b]).wait()

  def compute(t, b):
    rv = rows_v[b]
    ov = ost_v[b]
    xv = xi_v[b]
    ev = idx_v[b]
    n0 = chunk_of(t) * NB
    for i in range(NB):
      n = n0 + i
      bvecs = [plsc.load_gather(xv, [zv + i, ib[r]]) for r in range(3)]
      mi = plsc.load_gather(c_v, [zv + n])
      smi = (mi > 0).astype(jnp.float32) * SCALE
      for g in range(K // 16):
        e16 = ev[pl.ds(i * K + g * 16, 16)]
        cj = plsc.load_gather(c_v, [e16])
        s_v[pl.ds(g * 16, 16)] = smi * (cj > 0).astype(jnp.float32)

      @plsc.parallel_loop(0, K, 1, unroll=8)
      def _edge(e):
        row = i * K + e
        sv = plsc.load_gather(s_v, [zv + e])
        for r in range(3):
          a = rv[row, pl.ds(r * 16, 16)]
          ov[i, e, pl.ds(r * 16, 16)] = (a - bvecs[r]) * sv

  start_ix(0, 0)
  start_ix(1, 1)
  wait_ix_sem(0)
  start_gather(0)
  pltpu.make_async_copy(out_hbm.at[0, pl.ds(0, NB)], ost_v[1], sO[1]).start()

  def pair_body(p, _):
    for b in range(2):
      t = 2 * p + b
      ob = 1 - b
      wait_gather(b)
      wait_out(ob)
      wait_ix_sem(ob)
      start_gather(ob)
      compute(t, b)
      start_out(t, b)
      start_ix(t + 2, b)
    return 0

  lax.fori_loop(0, TT // 2, pair_body, 0)

  wait_out(1)
  wait_gather(0)
  wait_ix_sem(1)


@jax.jit
def _run(x128, eflat, c, pat):
  mesh = plsc.VectorSubcoreMesh(core_axis_name="c", subcore_axis_name="s")
  f = pl.kernel(
      _body,
      out_type=jax.ShapeDtypeStruct((1, N, K, OUTW), jnp.float32),
      mesh=mesh,
      compiler_params=pltpu.CompilerParams(needs_layout_passes=False),
      scratch_types=[
          pltpu.VMEM((N,), jnp.int32),
          pltpu.VMEM((EC,), jnp.int32),
          pltpu.VMEM((EC,), jnp.int32),
          pltpu.VMEM((16,), jnp.int32),
          pltpu.VMEM((16,), jnp.int32),
          pltpu.VMEM((16, ROWW), jnp.float32),
          pltpu.VMEM((16, ROWW), jnp.float32),
          pltpu.VMEM((EC, ROWW), jnp.float32),
          pltpu.VMEM((EC, ROWW), jnp.float32),
          pltpu.VMEM((NB, K, OUTW), jnp.float32),
          pltpu.VMEM((NB, K, OUTW), jnp.float32),
          pltpu.VMEM((K,), jnp.float32),
          pltpu.VMEM((8, 128), jnp.int32),
          pltpu.SemaphoreType.DMA,
          pltpu.SemaphoreType.DMA,
          pltpu.SemaphoreType.DMA,
          pltpu.SemaphoreType.DMA,
          pltpu.SemaphoreType.DMA,
          pltpu.SemaphoreType.DMA,
          pltpu.SemaphoreType.DMA,
          pltpu.SemaphoreType.DMA,
      ],
  )
  return f(x128, eflat, c, pat)


def kernel(X, edge_idx, C):
  B = X.shape[0]
  x12 = X.reshape(N, 12)
  x48 = jnp.concatenate([x12, x12, x12, x12], axis=1)
  x128 = jnp.pad(x48, ((0, NPAD - N), (0, ROWW - OUTW)))
  eflat = edge_idx.reshape(N * K).astype(jnp.int32)
  c = C.reshape(N).astype(jnp.int32)
  return _run(x128, eflat, c, jnp.asarray(_PAT))

# --- scband reference (transcript-rebuilt; emitter-appended) ---
"""Pipeline reference for scband-edge-cartesian-coords-23759759081738 (READ-ONLY COPY).

The authoritative reference and input builder live on the scoring server;
editing this copy changes nothing except your own understanding.
"""

import jax, jax.numpy as jnp
import numpy as np

SCALE_FACTOR = 0.1
NUM_GRID_SQUARE_TYPES = 4


def collect_neighbors(node_h, edge_idx):
    # node_h: [B, N, D]; edge_idx: [B, N, K] -> [B, N, K, D]
    B, N, K = edge_idx.shape
    D = node_h.shape[-1]
    idx = edge_idx.reshape(B, N * K)
    gathered = jnp.take_along_axis(node_h, idx[:, :, None], axis=1)
    return gathered.reshape(B, N, K, D)


def setup_inputs(seed: int = 0) -> dict:
    key = jax.random.key(seed)
    k1, k2, k3 = jax.random.split(key, 3)
    X = jax.random.normal(k1, (1, 10000, 4, 3), dtype=jnp.float32)
    edge_idx = jax.random.randint(k2, (1, 10000, 64), 0, 10000)
    C = jax.random.randint(k3, (1, 10000), 0, 21)
    return {"X": X, "edge_idx": edge_idx, "C": C}


def reference(X, edge_idx, C):
    G = NUM_GRID_SQUARE_TYPES
    B, N, K = edge_idx.shape
    X_flat = X.reshape(B, N, -1)  # [B, N, G*3]
    X_j_flat = collect_neighbors(X_flat, edge_idx)  # [B, N, K, G*3]
    X_j = X_j_flat.reshape(B, N, K, 1, G, 3)
    X_i = X.reshape(B, N, 1, G, 1, 3)
    dX = X_j - X_i  # [B, N, K, G, G, 3]
    edge_h = SCALE_FACTOR * dX.reshape(B, N, K, -1)  # [B, N, K, 3*G*G]
    # field map mask
    mask_i = (C > 0).astype(jnp.float32)  # [B, N]
    mask_i_expand = mask_i[:, :, None]  # [B, N, 1]
    mask_j = collect_neighbors(mask_i_expand, edge_idx)  # [B, N, K, 1]
    mask_ij = mask_j * mask_i_expand[:, :, None, :]  # [B, N, K, 1]
    edge_h = mask_ij * edge_h
    return edge_h

if __name__ == "__main__":
    import jax
    _d = setup_inputs()
    print(jax.jit(kernel)(*tuple(_d.values())))

</pallas_src>

<mosaic_0001>
#map = affine_map<(d0, d1) -> (0, 0)>
#map1 = affine_map<(d0, d1) -> (0)>
#map2 = affine_map<(d0, d1) -> (0, 0, 0, 0)>
module attributes {stable_mosaic.version = 14 : i64} {
  func.func @_body(%arg0: i32, %arg1: i32, %arg2: memref<10016x128xf32, #tpu.memory_space<hbm>>, %arg3: memref<640000xi32, #tpu.memory_space<hbm>>, %arg4: memref<10000xi32, #tpu.memory_space<hbm>>, %arg5: memref<8x128xi32, #tpu.memory_space<hbm>>, %arg6: memref<1x10000x64x48xf32, #tpu.memory_space<hbm>>, %arg7: memref<10000xi32, #tpu.memory_space<vmem>>, %arg8: memref<128xi32, #tpu.memory_space<vmem>>, %arg9: memref<128xi32, #tpu.memory_space<vmem>>, %arg10: memref<16xi32, #tpu.memory_space<vmem>>, %arg11: memref<16xi32, #tpu.memory_space<vmem>>, %arg12: memref<16x128xf32, #tpu.memory_space<vmem>>, %arg13: memref<16x128xf32, #tpu.memory_space<vmem>>, %arg14: memref<128x128xf32, #tpu.memory_space<vmem>>, %arg15: memref<128x128xf32, #tpu.memory_space<vmem>>, %arg16: memref<2x64x48xf32, #tpu.memory_space<vmem>>, %arg17: memref<2x64x48xf32, #tpu.memory_space<vmem>>, %arg18: memref<64xf32, #tpu.memory_space<vmem>>, %arg19: memref<8x128xi32, #tpu.memory_space<vmem>>, %arg20: memref<!tpu.dma_semaphore, #tpu.memory_space<semaphore_mem>>, %arg21: memref<!tpu.dma_semaphore, #tpu.memory_space<semaphore_mem>>, %arg22: memref<!tpu.dma_semaphore, #tpu.memory_space<semaphore_mem>>, %arg23: memref<!tpu.dma_semaphore, #tpu.memory_space<semaphore_mem>>, %arg24: memref<!tpu.dma_semaphore, #tpu.memory_space<semaphore_mem>>, %arg25: memref<!tpu.dma_semaphore, #tpu.memory_space<semaphore_mem>>, %arg26: memref<!tpu.dma_semaphore, #tpu.memory_space<semaphore_mem>>, %arg27: memref<!tpu.dma_semaphore, #tpu.memory_space<semaphore_mem>>) attributes {dimension_semantics = [#tpu.dimension_semantics<core_parallel>, #tpu.dimension_semantics<subcore_parallel>], iteration_bounds = array<i64: 2, 16>, scalar_prefetch = 0 : i64, scratch_operands = 21 : i64, tpu.core_type = #tpu.core_type<sc_vector_subcore>, window_params = [{transform_indices = #map}, {transform_indices = #map1}, {transform_indices = #map1}, {transform_indices = #map}, {transform_indices = #map2}]} {
    %mul3A = arith.constant 2 : i32
    %mul3A_0 = arith.muli %arg1, %mul3A : i32
    %add3A = arith.addi %mul3A_0, %arg0 : i32
    %sub3A = arith.constant 5000 : i32
    %sub3A_1 = arith.subi %sub3A, %add3A : i32
    %add3A_2 = arith.constant 32 : i32
    %add3A_3 = arith.addi %sub3A_1, %add3A_2 : i32
    %sub3A_4 = arith.constant 1 : i32
    %sub3A_5 = arith.subi %add3A_3, %sub3A_4 : i32
    %jit3A = arith.constant 32 : i32
    %div3A = arith.divsi %sub3A_5, %jit3A : i32
    %sign3A = arith.constant 0 : i32
    %sign3A_6 = arith.cmpi sgt, %sub3A_5, %sign3A : i32
    %sign3A_7 = arith.extui %sign3A_6 : i1 to i32
    %sign3A_8 = arith.constant 0 : i32
    %sign3A_9 = arith.cmpi slt, %sub3A_5, %sign3A_8 : i32
    %sign3A_10 = arith.extui %sign3A_9 : i1 to i32
    %sign3A_11 = arith.subi %sign3A_7, %sign3A_10 : i32
    %sign3A_12 = arith.constant 0 : i32
    %sign3A_13 = arith.cmpi sgt, %jit3A, %sign3A_12 : i32
    %sign3A_14 = arith.extui %sign3A_13 : i1 to i32
    %sign3A_15 = arith.constant 0 : i32
    %sign3A_16 = arith.cmpi slt, %jit3A, %sign3A_15 : i32
    %sign3A_17 = arith.extui %sign3A_16 : i1 to i32
    %sign3A_18 = arith.subi %sign3A_14, %sign3A_17 : i32
    %ne3A = arith.cmpi ne, %sign3A_11, %sign3A_18 : i32
    %rem3A = arith.remsi %sub3A_5, %jit3A : i32
    %ne3A_19 = arith.constant 0 : i32
    %ne3A_20 = arith.cmpi ne, %rem3A, %ne3A_19 : i32
    %and3A = arith.andi %ne3A, %ne3A_20 : i1
    %sub3A_21 = arith.constant 1 : i32
    %sub3A_22 = arith.subi %div3A, %sub3A_21 : i32
    %select_n3A = arith.select %and3A, %sub3A_22, %div3A : i32
    "tpu.region"() ({
      %run_scoped3A = tpu.sem_alloc : memref<!tpu.dma_semaphore, #tpu.memory_space<semaphore_mem>>
      tpu.enqueue_dma source(%arg4 : memref<10000xi32, #tpu.memory_space<hbm>>) target(%arg7 : memref<10000xi32, #tpu.memory_space<vmem>>) target_semaphore(%run_scoped3A : memref<!tpu.dma_semaphore, #tpu.memory_space<semaphore_mem>>)
      tpu.wait_dma2 semaphore(%run_scoped3A : memref<!tpu.dma_semaphore, #tpu.memory_space<semaphore_mem>>) src(%arg4 : memref<10000xi32, #tpu.memory_space<hbm>>) dst(%arg7 : memref<10000xi32, #tpu.memory_space<vmem>>)
      tpu.yield
    }) : () -> ()
    "tpu.region"() ({
      %run_scoped3A = tpu.sem_alloc : memref<!tpu.dma_semaphore, #tpu.memory_space<semaphore_mem>>
      tpu.enqueue_dma source(%arg5 : memref<8x128xi32, #tpu.memory_space<hbm>>) target(%arg19 : memref<8x128xi32, #tpu.memory_space<vmem>>) target_semaphore(%run_scoped3A : memref<!tpu.dma_semaphore, #tpu.memory_space<semaphore_mem>>)
      tpu.wait_dma2 semaphore(%run_scoped3A : memref<!tpu.dma_semaphore, #tpu.memory_space<semaphore_mem>>) src(%arg5 : memref<8x128xi32, #tpu.memory_space<hbm>>) dst(%arg19 : memref<8x128xi32, #tpu.memory_space<vmem>>)
      tpu.yield
    }) : () -> ()
    %get3A = arith.constant 0 : i32
    %get3A_23 = arith.index_cast %get3A : i32 to index
    %get3A_24 = arith.constant 0 : index
    %get3A_25 = tpu.vector_load %arg19[%get3A_23, %get3A_24] {strides = array<i32>} : memref<8x128xi32, #tpu.memory_space<vmem>>, vector<16xi32>,
    %get3A_26 = arith.constant 1 : i32
    %get3A_27 = arith.index_cast %get3A_26 : i32 to index
    %get3A_28 = arith.constant 0 : index
    %get3A_29 = tpu.vector_load %arg19[%get3A_27, %get3A_28] {strides = array<i32>} : memref<8x128xi32, #tpu.memory_space<vmem>>, vector<16xi32>,
    %get3A_30 = arith.constant 2 : i32
    %get3A_31 = arith.index_cast %get3A_30 : i32 to index
    %get3A_32 = arith.constant 0 : index
    %get3A_33 = tpu.vector_load %arg19[%get3A_31, %get3A_32] {strides = array<i32>} : memref<8x128xi32, #tpu.memory_space<vmem>>, vector<16xi32>,
    %get3A_34 = arith.constant 3 : i32
    %get3A_35 = arith.index_cast %get3A_34 : i32 to index
    %get3A_36 = arith.constant 0 : index
    %get3A_37 = tpu.vector_load %arg19[%get3A_35, %get3A_36] {strides = array<i32>} : memref<8x128xi32, #tpu.memory_space<vmem>>, vector<16xi32>,
    %get3A_38 = arith.constant 4 : i32
    %get3A_39 = arith.index_cast %get3A_38 : i32 to index
    %get3A_40 = arith.constant 0 : index
    %get3A_41 = tpu.vector_load %arg19[%get3A_39, %get3A_40] {strides = array<i32>} : memref<8x128xi32, #tpu.memory_space<vmem>>, vector<16xi32>,
    %sub3A_42 = arith.constant 1 : i32
    %sub3A_43 = arith.subi %select_n3A, %sub3A_42 : i32
    %min3A = arith.constant 0 : i32
    %min3A_44 = arith.minsi %min3A, %sub3A_43 : i32
    %mul3A_45 = arith.constant 32 : i32
    %mul3A_46 = arith.muli %min3A_44, %mul3A_45 : i32
    %add3A_47 = arith.addi %add3A, %mul3A_46 : i32
    %mul3A_48 = arith.constant 128 : i32
    %mul3A_49 = arith.muli %add3A_47, %mul3A_48 : i32
    %dma_start3A = tpu.memref_slice %arg3[%mul3A_49] : memref<640000xi32, #tpu.memory_space<hbm>> -> memref<128xi32, #tpu.memory_space<hbm>>
    %dma_start3A_50 = tpu.memref_slice %arg3[%mul3A_49] : memref<640000xi32, #tpu.memory_space<hbm>> -> memref<128xi32, #tpu.memory_space<hbm>>
    tpu.enqueue_dma source(%dma_start3A_50 : memref<128xi32, #tpu.memory_space<hbm>>) target(%arg8 : memref<128xi32, #tpu.memory_space<vmem>>) target_semaphore(%arg20 : memref<!tpu.dma_semaphore, #tpu.memory_space<semaphore_mem>>)
    %mul3A_51 = arith.constant 2 : i32
    %mul3A_52 = arith.muli %add3A_47, %mul3A_51 : i32
    %add3A_53 = vector.broadcast %mul3A_52 : i32 to vector<16xi32>
    %add3A_54 = arith.addi %get3A_41, %add3A_53 : vector<16xi32>
    %swap3A = arith.constant 0 : index
    %swap3A_55 = tpu.vector_load %arg10[%swap3A] {strides = array<i32>} : memref<16xi32, #tpu.memory_space<vmem>>, vector<16xi32>,
    tpu.vector_store %arg10[%swap3A], %add3A_54 {strides = array<i32>} : memref<16xi32, #tpu.memory_space<vmem>>, vector<16xi32>,
    %dma_start3A_56 = arith.constant 0 : i32
    %dma_start3A_57 = arith.constant 0 : i32
    %dma_start3A_58 = tpu.memref_slice %arg2[%dma_start3A_56, %dma_start3A_57] : memref<10016x128xf32, #tpu.memory_space<hbm>> -> memref<10016x128xf32, #tpu.memory_space<hbm>>
    tpu.enqueue_indirect_dma source(%dma_start3A_58 : memref<10016x128xf32, #tpu.memory_space<hbm>>) target(%arg12 : memref<16x128xf32, #tpu.memory_space<vmem>>) offsets(%arg10 : memref<16xi32, #tpu.memory_space<vmem>>) semaphore(%arg22 : memref<!tpu.dma_semaphore, #tpu.memory_space<semaphore_mem>>)
    %sub3A_59 = arith.constant 1 : i32
    %sub3A_60 = arith.subi %select_n3A, %sub3A_59 : i32
    %min3A_61 = arith.constant 1 : i32
    %min3A_62 = arith.minsi %min3A_61, %sub3A_60 : i32
    %mul3A_63 = arith.constant 32 : i32
    %mul3A_64 = arith.muli %min3A_62, %mul3A_63 : i32
    %add3A_65 = arith.addi %add3A, %mul3A_64 : i32
    %mul3A_66 = arith.constant 128 : i32
    %mul3A_67 = arith.muli %add3A_65, %mul3A_66 : i32
    %dma_start3A_68 = tpu.memref_slice %arg3[%mul3A_67] : memref<640000xi32, #tpu.memory_space<hbm>> -> memref<128xi32, #tpu.memory_space<hbm>>
    %dma_start3A_69 = tpu.memref_slice %arg3[%mul3A_67] : memref<640000xi32, #tpu.memory_space<hbm>> -> memref<128xi32, #tpu.memory_space<hbm>>
    tpu.enqueue_dma source(%dma_start3A_69 : memref<128xi32, #tpu.memory_space<hbm>>) target(%arg9 : memref<128xi32, #tpu.memory_space<vmem>>) target_semaphore(%arg21 : memref<!tpu.dma_semaphore, #tpu.memory_space<semaphore_mem>>)
    %mul3A_70 = arith.constant 2 : i32
    %mul3A_71 = arith.muli %add3A_65, %mul3A_70 : i32
    %add3A_72 = vector.broadcast %mul3A_71 : i32 to vector<16xi32>
    %add3A_73 = arith.addi %get3A_41, %add3A_72 : vector<16xi32>
    %swap3A_74 = arith.constant 0 : index
    %swap3A_75 = tpu.vector_load %arg11[%swap3A_74] {strides = array<i32>} : memref<16xi32, #tpu.memory_space<vmem>>, vector<16xi32>,
    tpu.vector_store %arg11[%swap3A_74], %add3A_73 {strides = array<i32>} : memref<16xi32, #tpu.memory_space<vmem>>, vector<16xi32>,
    %dma_start3A_76 = arith.constant 0 : i32
    %dma_start3A_77 = arith.constant 0 : i32
    %dma_start3A_78 = tpu.memref_slice %arg2[%dma_start3A_76, %dma_start3A_77] : memref<10016x128xf32, #tpu.memory_space<hbm>> -> memref<10016x128xf32, #tpu.memory_space<hbm>>
    tpu.enqueue_indirect_dma source(%dma_start3A_78 : memref<10016x128xf32, #tpu.memory_space<hbm>>) target(%arg13 : memref<16x128xf32, #tpu.memory_space<vmem>>) offsets(%arg11 : memref<16xi32, #tpu.memory_space<vmem>>) semaphore(%arg23 : memref<!tpu.dma_semaphore, #tpu.memory_space<semaphore_mem>>)
    %dma_wait3A = arith.constant 0 : i32
    %dma_wait3A_79 = tpu.memref_slice %arg3[%dma_wait3A] : memref<640000xi32, #tpu.memory_space<hbm>> -> memref<128xi32, #tpu.memory_space<hbm>>
    %dma_wait3A_80 = arith.constant 0 : i32
    %dma_wait3A_81 = tpu.memref_slice %arg3[%dma_wait3A_80] : memref<640000xi32, #tpu.memory_space<hbm>> -> memref<128xi32, #tpu.memory_space<hbm>>
    tpu.wait_dma2 semaphore(%arg20 : memref<!tpu.dma_semaphore, #tpu.memory_space<semaphore_mem>>) src(%dma_wait3A_81 : memref<128xi32, #tpu.memory_space<hbm>>) dst(%arg8 : memref<128xi32, #tpu.memory_space<vmem>>)
    %dma_wait3A_82 = arith.constant 0 : i32
    %dma_wait3A_83 = arith.constant 0 : i32
    %dma_wait3A_84 = tpu.memref_slice %arg2[%dma_wait3A_82, %dma_wait3A_83] : memref<10016x128xf32, #tpu.memory_space<hbm>> -> memref<10016x128xf32, #tpu.memory_space<hbm>>
    tpu.wait_indirect_dma semaphore(%arg22 : memref<!tpu.dma_semaphore, #tpu.memory_space<semaphore_mem>>) src(%dma_wait3A_84 : memref<10016x128xf32, #tpu.memory_space<hbm>>) dst(%arg12 : memref<16x128xf32, #tpu.memory_space<vmem>>)
    %dma_start3A_85 = arith.constant 0 : i32
    %dma_start3A_86 = arith.constant 0 : i32
    %dma_start3A_87 = tpu.memref_slice %arg14[%dma_start3A_85, %dma_start3A_86] : memref<128x128xf32, #tpu.memory_space<vmem>> -> memref<128x128xf32, #tpu.memory_space<vmem>>
    %dma_start3A_88 = arith.constant 0 : i32
    %dma_start3A_89 = tpu.memref_slice %arg8[%dma_start3A_88] : memref<128xi32, #tpu.memory_space<vmem>> -> memref<128xi32, #tpu.memory_space<vmem>>
    %dma_start3A_90 = arith.constant 0 : i32
    %dma_start3A_91 = arith.constant 0 : i32
    %dma_start3A_92 = tpu.memref_slice %arg2[%dma_start3A_90, %dma_start3A_91] : memref<10016x128xf32, #tpu.memory_space<hbm>> -> memref<10016x128xf32, #tpu.memory_space<hbm>>
    tpu.enqueue_indirect_dma source(%dma_start3A_92 : memref<10016x128xf32, #tpu.memory_space<hbm>>) target(%dma_start3A_87 : memref<128x128xf32, #tpu.memory_space<vmem>>) offsets(%dma_start3A_89 : memref<128xi32, #tpu.memory_space<vmem>>) semaphore(%arg24 : memref<!tpu.dma_semaphore, #tpu.memory_space<semaphore_mem>>)
    %dma_start3A_93 = arith.constant 0 : i32
    %dma_start3A_94 = arith.constant 0 : i32
    %dma_start3A_95 = arith.constant 0 : i32
    %dma_start3A_96 = arith.constant 0 : i32
    %dma_start3A_97 = tpu.memref_slice %arg6[%dma_start3A_93, %dma_start3A_94, %dma_start3A_95, %dma_start3A_96] : memref<1x10000x64x48xf32, #tpu.memory_space<hbm>> -> memref<1x2x64x48xf32, #tpu.memory_space<hbm>>
    %dma_start3A_98 = tpu.memref_squeeze %dma_start3A_97 : memref<1x2x64x48xf32, #tpu.memory_space<hbm>> -> memref<2x64x48xf32, #tpu.memory_space<hbm>>
    %dma_start3A_99 = arith.constant 0 : i32
    %dma_start3A_100 = arith.constant 0 : i32
    %dma_start3A_101 = arith.constant 0 : i32
    %dma_start3A_102 = tpu.memref_slice %arg6[%dma_start3A_93, %dma_start3A_99, %dma_start3A_100, %dma_start3A_101] : memref<1x10000x64x48xf32, #tpu.memory_space<hbm>> -> memref<1x2x64x48xf32, #tpu.memory_space<hbm>>
    %dma_start3A_103 = tpu.memref_squeeze %dma_start3A_102 : memref<1x2x64x48xf32, #tpu.memory_space<hbm>> -> memref<2x64x48xf32, #tpu.memory_space<hbm>>
    tpu.enqueue_dma source(%dma_start3A_103 : memref<2x64x48xf32, #tpu.memory_space<hbm>>) target(%arg17 : memref<2x64x48xf32, #tpu.memory_space<vmem>>) target_semaphore(%arg27 : memref<!tpu.dma_semaphore, #tpu.memory_space<semaphore_mem>>)
    %scan3A = arith.constant 0 : i32
    %scan3A_104 = arith.constant 0 : i32
    %scan3A_105 = arith.constant 79 : i32
    %scan3A_106 = arith.addi %scan3A_104, %scan3A_105 : i32
    %scan3A_107 = arith.constant 1 : i32
    %scan3A_108 = scf.for %scan3A_136 = %scan3A_104 to %scan3A_106 step %scan3A_107 iter_args(%scan3A_137 = %scan3A) -> (i32)  : i32 {
      %mul3A_138 = arith.constant 2 : i32
      %mul3A_139 = arith.muli %mul3A_138, %scan3A_136 : i32
      %add3A_140 = arith.constant 0 : i32
      %add3A_141 = arith.addi %mul3A_139, %add3A_140 : i32
      %dma_wait3A_142 = arith.constant 0 : i32
      %dma_wait3A_143 = arith.constant 0 : i32
      %dma_wait3A_144 = tpu.memref_slice %arg14[%dma_wait3A_142, %dma_wait3A_143] : memref<128x128xf32, #tpu.memory_space<vmem>> -> memref<128x128xf32, #tpu.memory_space<vmem>>
      %dma_wait3A_145 = arith.constant 0 : i32
      %dma_wait3A_146 = tpu.memref_slice %arg8[%dma_wait3A_145] : memref<128xi32, #tpu.memory_space<vmem>> -> memref<128xi32, #tpu.memory_space<vmem>>
      %dma_wait3A_147 = arith.constant 0 : i32
      %dma_wait3A_148 = arith.constant 0 : i32
      %dma_wait3A_149 = tpu.memref_slice %arg2[%dma_wait3A_147, %dma_wait3A_148] : memref<10016x128xf32, #tpu.memory_space<hbm>> -> memref<10016x128xf32, #tpu.memory_space<hbm>>
      tpu.wait_indirect_dma semaphore(%arg24 : memref<!tpu.dma_semaphore, #tpu.memory_space<semaphore_mem>>) src(%dma_wait3A_149 : memref<10016x128xf32, #tpu.memory_space<hbm>>) dst(%dma_wait3A_144 : memref<128x128xf32, #tpu.memory_space<vmem>>)
      %dma_wait3A_150 = arith.constant 0 : i32
      %dma_wait3A_151 = arith.constant 0 : i32
      %dma_wait3A_152 = arith.constant 0 : i32
      %dma_wait3A_153 = arith.constant 0 : i32
      %dma_wait3A_154 = tpu.memref_slice %arg6[%dma_wait3A_150, %dma_wait3A_151, %dma_wait3A_152, %dma_wait3A_153] : memref<1x10000x64x48xf32, #tpu.memory_space<hbm>> -> memref<1x2x64x48xf32, #tpu.memory_space<hbm>>
      %dma_wait3A_155 = tpu.memref_squeeze %dma_wait3A_154 : memref<1x2x64x48xf32, #tpu.memory_space<hbm>> -> memref<2x64x48xf32, #tpu.memory_space<hbm>>
      %dma_wait3A_156 = arith.constant 0 : i32
      %dma_wait3A_157 = arith.constant 0 : i32
      %dma_wait3A_158 = arith.constant 0 : i32
      %dma_wait3A_159 = tpu.memref_slice %arg6[%dma_wait3A_150, %dma_wait3A_156, %dma_wait3A_157, %dma_wait3A_158] : memref<1x10000x64x48xf32, #tpu.memory_space<hbm>> -> memref<1x2x64x48xf32, #tpu.memory_space<hbm>>
      %dma_wait3A_160 = tpu.memref_squeeze %dma_wait3A_159 : memref<1x2x64x48xf32, #tpu.memory_space<hbm>> -> memref<2x64x48xf32, #tpu.memory_space<hbm>>
      tpu.wait_dma2 semaphore(%arg27 : memref<!tpu.dma_semaphore, #tpu.memory_space<semaphore_mem>>) src(%arg17 : memref<2x64x48xf32, #tpu.memory_space<vmem>>) dst(%dma_wait3A_160 : memref<2x64x48xf32, #tpu.memory_space<hbm>>)
      %dma_wait3A_161 = arith.constant 0 : i32
      %dma_wait3A_162 = tpu.memref_slice %arg3[%dma_wait3A_161] : memref<640000xi32, #tpu.memory_space<hbm>> -> memref<128xi32, #tpu.memory_space<hbm>>
      %dma_wait3A_163 = arith.constant 0 : i32
      %dma_wait3A_164 = tpu.memref_slice %arg3[%dma_wait3A_163] : memref<640000xi32, #tpu.memory_space<hbm>> -> memref<128xi32, #tpu.memory_space<hbm>>
      tpu.wait_dma2 semaphore(%arg21 : memref<!tpu.dma_semaphore, #tpu.memory_space<semaphore_mem>>) src(%dma_wait3A_164 : memref<128xi32, #tpu.memory_space<hbm>>) dst(%arg9 : memref<128xi32, #tpu.memory_space<vmem>>)
      %dma_wait3A_165 = arith.constant 0 : i32
      %dma_wait3A_166 = arith.constant 0 : i32
      %dma_wait3A_167 = tpu.memref_slice %arg2[%dma_wait3A_165, %dma_wait3A_166] : memref<10016x128xf32, #tpu.memory_space<hbm>> -> memref<10016x128xf32, #tpu.memory_space<hbm>>
      tpu.wait_indirect_dma semaphore(%arg23 : memref<!tpu.dma_semaphore, #tpu.memory_space<semaphore_mem>>) src(%dma_wait3A_167 : memref<10016x128xf32, #tpu.memory_space<hbm>>) dst(%arg13 : memref<16x128xf32, #tpu.memory_space<vmem>>)
      %dma_start3A_168 = arith.constant 0 : i32
      %dma_start3A_169 = arith.constant 0 : i32
      %dma_start3A_170 = tpu.memref_slice %arg15[%dma_start3A_168, %dma_start3A_169] : memref<128x128xf32, #tpu.memory_space<vmem>> -> memref<128x128xf32, #tpu.memory_space<vmem>>
      %dma_start3A_171 = arith.constant 0 : i32
      %dma_start3A_172 = tpu.memref_slice %arg9[%dma_start3A_171] : memref<128xi32, #tpu.memory_space<vmem>> -> memref<128xi32, #tpu.memory_space<vmem>>
      %dma_start3A_173 = arith.constant 0 : i32
      %dma_start3A_174 = arith.constant 0 : i32
      %dma_start3A_175 = tpu.memref_slice %arg2[%dma_start3A_173, %dma_start3A_174] : memref<10016x128xf32, #tpu.memory_space<hbm>> -> memref<10016x128xf32, #tpu.memory_space<hbm>>
      tpu.enqueue_indirect_dma source(%dma_start3A_175 : memref<10016x128xf32, #tpu.memory_space<hbm>>) target(%dma_start3A_170 : memref<128x128xf32, #tpu.memory_space<vmem>>) offsets(%dma_start3A_172 : memref<128xi32, #tpu.memory_space<vmem>>) semaphore(%arg25 : memref<!tpu.dma_semaphore, #tpu.memory_space<semaphore_mem>>)
      %sub3A_176 = arith.constant 1 : i32
      %sub3A_177 = arith.subi %select_n3A, %sub3A_176 : i32
      %min3A_178 = arith.minsi %add3A_141, %sub3A_177 : i32
      %mul3A_179 = arith.constant 32 : i32
      %mul3A_180 = arith.muli %min3A_178, %mul3A_179 : i32
      %add3A_181 = arith.addi %add3A, %mul3A_180 : i32
      %mul3A_182 = arith.constant 2 : i32
      %mul3A_183 = arith.muli %add3A_181, %mul3A_182 : i32
      %add3A_184 = arith.constant 0 : i32
      %add3A_185 = arith.addi %mul3A_183, %add3A_184 : i32
      %add3A_186 = arith.constant 0 : i32
      %add3A_187 = vector.broadcast %add3A_186 : i32 to vector<16xi32>
      %add3A_188 = arith.addi %get3A_37, %add3A_187 : vector<16xi32>
      %gather3A = tpu.vector_load_idx %arg12[%add3A_188, %get3A_25] : memref<16x128xf32, #tpu.memory_space<vmem>>[vector<16xi32>, vector<16xi32>], vector<16xf32>,
      %add3A_189 = arith.constant 0 : i32
      %add3A_190 = vector.broadcast %add3A_189 : i32 to vector<16xi32>
      %add3A_191 = arith.addi %get3A_37, %add3A_190 : vector<16xi32>
      %gather3A_192 = tpu.vector_load_idx %arg12[%add3A_191, %get3A_29] : memref<16x128xf32, #tpu.memory_space<vmem>>[vector<16xi32>, vector<16xi32>], vector<16xf32>,
      %add3A_193 = arith.constant 0 : i32
      %add3A_194 = vector.broadcast %add3A_193 : i32 to vector<16xi32>
      %add3A_195 = arith.addi %get3A_37, %add3A_194 : vector<16xi32>
      %gather3A_196 = tpu.vector_load_idx %arg12[%add3A_195, %get3A_33] : memref<16x128xf32, #tpu.memory_space<vmem>>[vector<16xi32>, vector<16xi32>], vector<16xf32>,
      %add3A_197 = vector.broadcast %add3A_185 : i32 to vector<16xi32>
      %add3A_198 = arith.addi %get3A_37, %add3A_197 : vector<16xi32>
      %gather3A_199 = tpu.vector_load_idx %arg7[%add3A_198] : memref<10000xi32, #tpu.memory_space<vmem>>[vector<16xi32>], vector<16xi32>,
      %gt3A = arith.constant 0 : i32
      %gt3A_200 = vector.broadcast %gt3A : i32 to vector<16xi32>
      %gt3A_201 = arith.cmpi sgt, %gather3A_199, %gt3A_200 : vector<16xi32>
      %convert_element_type3A = arith.extui %gt3A_201 : vector<16xi1> to vector<16xi32>
      %convert_element_type3A_202 = arith.sitofp %convert_element_type3A : vector<16xi32> to vector<16xf32>
      %mul3A_203 = arith.constant 1.000000e-01 : f32
      %mul3A_204 = vector.broadcast %mul3A_203 : f32 to vector<16xf32>
      %mul3A_205 = arith.mulf %convert_element_type3A_202, %mul3A_204 : vector<16xf32>
      %get3A_206 = arith.constant 0 : index
      %get3A_207 = tpu.vector_load %arg8[%get3A_206] {strides = array<i32>} : memref<128xi32, #tpu.memory_space<vmem>>, vector<16xi32>,
      %gather3A_208 = tpu.vector_load_idx %arg7[%get3A_207] : memref<10000xi32, #tpu.memory_space<vmem>>[vector<16xi32>], vector<16xi32>,
      %gt3A_209 = arith.constant 0 : i32
      %gt3A_210 = vector.broadcast %gt3A_209 : i32 to vector<16xi32>
      %gt3A_211 = arith.cmpi sgt, %gather3A_208, %gt3A_210 : vector<16xi32>
      %convert_element_type3A_212 = arith.extui %gt3A_211 : vector<16xi1> to vector<16xi32>
      %convert_element_type3A_213 = arith.sitofp %convert_element_type3A_212 : vector<16xi32> to vector<16xf32>
      %mul3A_214 = arith.mulf %mul3A_205, %convert_element_type3A_213 : vector<16xf32>
      %swap3A_215 = arith.constant 0 : index
      %swap3A_216 = tpu.vector_load %arg18[%swap3A_215] {strides = array<i32>} : memref<64xf32, #tpu.memory_space<vmem>>, vector<16xf32>,
      tpu.vector_store %arg18[%swap3A_215], %mul3A_214 {strides = array<i32>} : memref<64xf32, #tpu.memory_space<vmem>>, vector<16xf32>,
      %get3A_217 = arith.constant 16 : index
      %get3A_218 = tpu.vector_load %arg8[%get3A_217] {strides = array<i32>} : memref<128xi32, #tpu.memory_space<vmem>>, vector<16xi32>,
      %gather3A_219 = tpu.vector_load_idx %arg7[%get3A_218] : memref<10000xi32, #tpu.memory_space<vmem>>[vector<16xi32>], vector<16xi32>,
      %gt3A_220 = arith.constant 0 : i32
      %gt3A_221 = vector.broadcast %gt3A_220 : i32 to vector<16xi32>
      %gt3A_222 = arith.cmpi sgt, %gather3A_219, %gt3A_221 : vector<16xi32>
      %convert_element_type3A_223 = arith.extui %gt3A_222 : vector<16xi1> to vector<16xi32>
      %convert_element_type3A_224 = arith.sitofp %convert_element_type3A_223 : vector<16xi32> to vector<16xf32>
      %mul3A_225 = arith.mulf %mul3A_205, %convert_element_type3A_224 : vector<16xf32>
      %swap3A_226 = arith.constant 16 : index
      %swap3A_227 = tpu.vector_load %arg18[%swap3A_226] {strides = array<i32>} : memref<64xf32, #tpu.memory_space<vmem>>, vector<16xf32>,
      tpu.vector_store %arg18[%swap3A_226], %mul3A_225 {strides = array<i32>} : memref<64xf32, #tpu.memory_space<vmem>>, vector<16xf32>,
      %get3A_228 = arith.constant 32 : index
      %get3A_229 = tpu.vector_load %arg8[%get3A_228] {strides = array<i32>} : memref<128xi32, #tpu.memory_space<vmem>>, vector<16xi32>,
      %gather3A_230 = tpu.vector_load_idx %arg7[%get3A_229] : memref<10000xi32, #tpu.memory_space<vmem>>[vector<16xi32>], vector<16xi32>,
      %gt3A_231 = arith.constant 0 : i32
      %gt3A_232 = vector.broadcast %gt3A_231 : i32 to vector<16xi32>
      %gt3A_233 = arith.cmpi sgt, %gather3A_230, %gt3A_232 : vector<16xi32>
      %convert_element_type3A_234 = arith.extui %gt3A_233 : vector<16xi1> to vector<16xi32>
      %convert_element_type3A_235 = arith.sitofp %convert_element_type3A_234 : vector<16xi32> to vector<16xf32>
      %mul3A_236 = arith.mulf %mul3A_205, %convert_element_type3A_235 : vector<16xf32>
      %swap3A_237 = arith.constant 32 : index
      %swap3A_238 = tpu.vector_load %arg18[%swap3A_237] {strides = array<i32>} : memref<64xf32, #tpu.memory_space<vmem>>, vector<16xf32>,
      tpu.vector_store %arg18[%swap3A_237], %mul3A_236 {strides = array<i32>} : memref<64xf32, #tpu.memory_space<vmem>>, vector<16xf32>,
      %get3A_239 = arith.constant 48 : index
      %get3A_240 = tpu.vector_load %arg8[%get3A_239] {strides = array<i32>} : memref<128xi32, #tpu.memory_space<vmem>>, vector<16xi32>,
      %gather3A_241 = tpu.vector_load_idx %arg7[%get3A_240] : memref<10000xi32, #tpu.memory_space<vmem>>[vector<16xi32>], vector<16xi32>,
      %gt3A_242 = arith.constant 0 : i32
      %gt3A_243 = vector.broadcast %gt3A_242 : i32 to vector<16xi32>
      %gt3A_244 = arith.cmpi sgt, %gather3A_241, %gt3A_243 : vector<16xi32>
      %convert_element_type3A_245 = arith.extui %gt3A_244 : vector<16xi1> to vector<16xi32>
      %convert_element_type3A_246 = arith.sitofp %convert_element_type3A_245 : vector<16xi32> to vector<16xf32>
      %mul3A_247 = arith.mulf %mul3A_205, %convert_element_type3A_246 : vector<16xf32>
      %swap3A_248 = arith.constant 48 : index
      %swap3A_249 = tpu.vector_load %arg18[%swap3A_248] {strides = array<i32>} : memref<64xf32, #tpu.memory_space<vmem>>, vector<16xf32>,
      tpu.vector_store %arg18[%swap3A_248], %mul3A_247 {strides = array<i32>} : memref<64xf32, #tpu.memory_space<vmem>>, vector<16xf32>,
      %parallel_loop3A = arith.constant 0 : i32
      %parallel_loop3A_250 = arith.constant 64 : i32
      %parallel_loop3A_251 = arith.constant 1 : i32
      scf.for %parallel_loop3A_591 = %parallel_loop3A to %parallel_loop3A_250 step %parallel_loop3A_251  : i32 {
        %parallel_loop3A_592 = arith.constant 0 : i32
        %parallel_loop3A_593 = arith.addi %parallel_loop3A_592, %parallel_loop3A_591 : i32
        %parallel_loop3A_594 = vector.broadcast %parallel_loop3A_591 : i32 to vector<16xi32>
        %parallel_loop3A_595 = arith.addi %get3A_37, %parallel_loop3A_594 : vector<16xi32>
        %parallel_loop3A_596 = tpu.vector_load_idx %arg18[%parallel_loop3A_595] : memref<64xf32, #tpu.memory_space<vmem>>[vector<16xi32>], vector<16xf32>,
        %parallel_loop3A_597 = arith.index_cast %parallel_loop3A_593 : i32 to index
        %parallel_loop3A_598 = arith.constant 0 : index
        %parallel_loop3A_599 = tpu.vector_load %arg14[%parallel_loop3A_597, %parallel_loop3A_598] {strides = array<i32>} : memref<128x128xf32, #tpu.memory_space<vmem>>, vector<16xf32>,
        %parallel_loop3A_600 = arith.subf %parallel_loop3A_599, %gather3A : vector<16xf32>
        %parallel_loop3A_601 = arith.mulf %parallel_loop3A_600, %parallel_loop3A_596 : vector<16xf32>
        %parallel_loop3A_602 = arith.constant 0 : i32
        %parallel_loop3A_603 = arith.index_cast %parallel_loop3A_602 : i32 to index
        %parallel_loop3A_604 = arith.index_cast %parallel_loop3A_591 : i32 to index
        %parallel_loop3A_605 = arith.constant 0 : index
        %parallel_loop3A_606 = tpu.vector_load %arg16[%parallel_loop3A_603, %parallel_loop3A_604, %parallel_loop3A_605] {strides = array<i32>} : memref<2x64x48xf32, #tpu.memory_space<vmem>>, vector<16xf32>,
        tpu.vector_store %arg16[%parallel_loop3A_603, %parallel_loop3A_604, %parallel_loop3A_605], %parallel_loop3A_601 {strides = array<i32>} : memref<2x64x48xf32, #tpu.memory_space<vmem>>, vector<16xf32>,
        %parallel_loop3A_607 = arith.index_cast %parallel_loop3A_593 : i32 to index
        %parallel_loop3A_608 = arith.constant 16 : index
        %parallel_loop3A_609 = tpu.vector_load %arg14[%parallel_loop3A_607, %parallel_loop3A_608] {strides = array<i32>} : memref<128x128xf32, #tpu.memory_space<vmem>>, vector<16xf32>,
        %parallel_loop3A_610 = arith.subf %parallel_loop3A_609, %gather3A_192 : vector<16xf32>
        %parallel_loop3A_611 = arith.mulf %parallel_loop3A_610, %parallel_loop3A_596 : vector<16xf32>
        %parallel_loop3A_612 = arith.constant 0 : i32
        %parallel_loop3A_613 = arith.index_cast %parallel_loop3A_612 : i32 to index
        %parallel_loop3A_614 = arith.index_cast %parallel_loop3A_591 : i32 to index
        %parallel_loop3A_615 = arith.constant 16 : index
        %parallel_loop3A_616 = tpu.vector_load %arg16[%parallel_loop3A_613, %parallel_loop3A_614, %parallel_loop3A_615] {strides = array<i32>} : memref<2x64x48xf32, #tpu.memory_space<vmem>>, vector<16xf32>,
        tpu.vector_store %arg16[%parallel_loop3A_613, %parallel_loop3A_614, %parallel_loop3A_615], %parallel_loop3A_611 {strides = array<i32>} : memref<2x64x48xf32, #tpu.memory_space<vmem>>, vector<16xf32>,
        %parallel_loop3A_617 = arith.index_cast %parallel_loop3A_593 : i32 to index
        %parallel_loop3A_618 = arith.constant 32 : index
        %parallel_loop3A_619 = tpu.vector_load %arg14[%parallel_loop3A_617, %parallel_loop3A_618] {strides = array<i32>} : memref<128x128xf32, #tpu.memory_space<vmem>>, vector<16xf32>,
        %parallel_loop3A_620 = arith.subf %parallel_loop3A_619, %gather3A_196 : vector<16xf32>
        %parallel_loop3A_621 = arith.mulf %parallel_loop3A_620, %parallel_loop3A_596 : vector<16xf32>
        %parallel_loop3A_622 = arith.constant 0 : i32
        %parallel_loop3A_623 = arith.index_cast %parallel_loop3A_622 : i32 to index
        %parallel_loop3A_624 = arith.index_cast %parallel_loop3A_591 : i32 to index
        %parallel_loop3A_625 = arith.constant 32 : index
        %parallel_loop3A_626 = tpu.vector_load %arg16[%parallel_loop3A_623, %parallel_loop3A_624, %parallel_loop3A_625] {strides = array<i32>} : memref<2x64x48xf32, #tpu.memory_space<vmem>>, vector<16xf32>,
        tpu.vector_store %arg16[%parallel_loop3A_623, %parallel_loop3A_624, %parallel_loop3A_625], %parallel_loop3A_621 {strides = array<i32>} : memref<2x64x48xf32, #tpu.memory_space<vmem>>, vector<16xf32>,
      } {sc.loop_unroll_factor = 8 : i64, sc.parallel_access}
      %add3A_252 = arith.constant 1 : i32
      %add3A_253 = arith.addi %mul3A_183, %add3A_252 : i32
      %add3A_254 = arith.constant 1 : i32
      %add3A_255 = vector.broadcast %add3A_254 : i32 to vector<16xi32>
      %add3A_256 = arith.addi %get3A_37, %add3A_255 : vector<16xi32>
      %gather3A_257 = tpu.vector_load_idx %arg12[%add3A_256, %get3A_25] : memref<16x128xf32, #tpu.memory_space<vmem>>[vector<16xi32>, vector<16xi32>], vector<16xf32>,
      %add3A_258 = arith.constant 1 : i32
      %add3A_259 = vector.broadcast %add3A_258 : i32 to vector<16xi32>
      %add3A_260 = arith.addi %get3A_37, %add3A_259 : vector<16xi32>
      %gather3A_261 = tpu.vector_load_idx %arg12[%add3A_260, %get3A_29] : memref<16x128xf32, #tpu.memory_space<vmem>>[vector<16xi32>, vector<16xi32>], vector<16xf32>,
      %add3A_262 = arith.constant 1 : i32
      %add3A_263 = vector.broadcast %add3A_262 : i32 to vector<16xi32>
      %add3A_264 = arith.addi %get3A_37, %add3A_263 : vector<16xi32>
      %gather3A_265 = tpu.vector_load_idx %arg12[%add3A_264, %get3A_33] : memref<16x128xf32, #tpu.memory_space<vmem>>[vector<16xi32>, vector<16xi32>], vector<16xf32>,
      %add3A_266 = vector.broadcast %add3A_253 : i32 to vector<16xi32>
      %add3A_267 = arith.addi %get3A_37, %add3A_266 : vector<16xi32>
      %gather3A_268 = tpu.vector_load_idx %arg7[%add3A_267] : memref<10000xi32, #tpu.memory_space<vmem>>[vector<16xi32>], vector<16xi32>,
      %gt3A_269 = arith.constant 0 : i32
      %gt3A_270 = vector.broadcast %gt3A_269 : i32 to vector<16xi32>
      %gt3A_271 = arith.cmpi sgt, %gather3A_268, %gt3A_270 : vector<16xi32>
      %convert_element_type3A_272 = arith.extui %gt3A_271 : vector<16xi1> to vector<16xi32>
      %convert_element_type3A_273 = arith.sitofp %convert_element_type3A_272 : vector<16xi32> to vector<16xf32>
      %mul3A_274 = arith.constant 1.000000e-01 : f32
      %mul3A_275 = vector.broadcast %mul3A_274 : f32 to vector<16xf32>
      %mul3A_276 = arith.mulf %convert_element_type3A_273, %mul3A_275 : vector<16xf32>
      %get3A_277 = arith.constant 64 : index
      %get3A_278 = tpu.vector_load %arg8[%get3A_277] {strides = array<i32>} : memref<128xi32, #tpu.memory_space<vmem>>, vector<16xi32>,
      %gather3A_279 = tpu.vector_load_idx %arg7[%get3A_278] : memref<10000xi32, #tpu.memory_space<vmem>>[vector<16xi32>], vector<16xi32>,
      %gt3A_280 = arith.constant 0 : i32
      %gt3A_281 = vector.broadcast %gt3A_280 : i32 to vector<16xi32>
      %gt3A_282 = arith.cmpi sgt, %gather3A_279, %gt3A_281 : vector<16xi32>
      %convert_element_type3A_283 = arith.extui %gt3A_282 : vector<16xi1> to vector<16xi32>
      %convert_element_type3A_284 = arith.sitofp %convert_element_type3A_283 : vector<16xi32> to vector<16xf32>
      %mul3A_285 = arith.mulf %mul3A_276, %convert_element_type3A_284 : vector<16xf32>
      %swap3A_286 = arith.constant 0 : index
      %swap3A_287 = tpu.vector_load %arg18[%swap3A_286] {strides = array<i32>} : memref<64xf32, #tpu.memory_space<vmem>>, vector<16xf32>,
      tpu.vector_store %arg18[%swap3A_286], %mul3A_285 {strides = array<i32>} : memref<64xf32, #tpu.memory_space<vmem>>, vector<16xf32>,
      %get3A_288 = arith.constant 80 : index
      %get3A_289 = tpu.vector_load %arg8[%get3A_288] {strides = array<i32>} : memref<128xi32, #tpu.memory_space<vmem>>, vector<16xi32>,
      %gather3A_290 = tpu.vector_load_idx %arg7[%get3A_289] : memref<10000xi32, #tpu.memory_space<vmem>>[vector<16xi32>], vector<16xi32>,
      %gt3A_291 = arith.constant 0 : i32
      %gt3A_292 = vector.broadcast %gt3A_291 : i32 to vector<16xi32>
      %gt3A_293 = arith.cmpi sgt, %gather3A_290, %gt3A_292 : vector<16xi32>
      %convert_element_type3A_294 = arith.extui %gt3A_293 : vector<16xi1> to vector<16xi32>
      %convert_element_type3A_295 = arith.sitofp %convert_element_type3A_294 : vector<16xi32> to vector<16xf32>
      %mul3A_296 = arith.mulf %mul3A_276, %convert_element_type3A_295 : vector<16xf32>
      %swap3A_297 = arith.constant 16 : index
      %swap3A_298 = tpu.vector_load %arg18[%swap3A_297] {strides = array<i32>} : memref<64xf32, #tpu.memory_space<vmem>>, vector<16xf32>,
      tpu.vector_store %arg18[%swap3A_297], %mul3A_296 {strides = array<i32>} : memref<64xf32, #tpu.memory_space<vmem>>, vector<16xf32>,
      %get3A_299 = arith.constant 96 : index
      %get3A_300 = tpu.vector_load %arg8[%get3A_299] {strides = array<i32>} : memref<128xi32, #tpu.memory_space<vmem>>, vector<16xi32>,
      %gather3A_301 = tpu.vector_load_idx %arg7[%get3A_300] : memref<10000xi32, #tpu.memory_space<vmem>>[vector<16xi32>], vector<16xi32>,
      %gt3A_302 = arith.constant 0 : i32
      %gt3A_303 = vector.broadcast %gt3A_302 : i32 to vector<16xi32>
      %gt3A_304 = arith.cmpi sgt, %gather3A_301, %gt3A_303 : vector<16xi32>
      %convert_element_type3A_305 = arith.extui %gt3A_304 : vector<16xi1> to vector<16xi32>
      %convert_element_type3A_306 = arith.sitofp %convert_element_type3A_305 : vector<16xi32> to vector<16xf32>
      %mul3A_307 = arith.mulf %mul3A_276, %convert_element_type3A_306 : vector<16xf32>
      %swap3A_308 = arith.constant 32 : index
      %swap3A_309 = tpu.vector_load %arg18[%swap3A_308] {strides = array<i32>} : memref<64xf32, #tpu.memory_space<vmem>>, vector<16xf32>,
      tpu.vector_store %arg18[%swap3A_308], %mul3A_307 {strides = array<i32>} : memref<64xf32, #tpu.memory_space<vmem>>, vector<16xf32>,
      %get3A_310 = arith.constant 112 : index
      %get3A_311 = tpu.vector_load %arg8[%get3A_310] {strides = array<i32>} : memref<128xi32, #tpu.memory_space<vmem>>, vector<16xi32>,
      %gather3A_312 = tpu.vector_load_idx %arg7[%get3A_311] : memref<10000xi32, #tpu.memory_space<vmem>>[vector<16xi32>], vector<16xi32>,
      %gt3A_313 = arith.constant 0 : i32
      %gt3A_314 = vector.broadcast %gt3A_313 : i32 to vector<16xi32>
      %gt3A_315 = arith.cmpi sgt, %gather3A_312, %gt3A_314 : vector<16xi32>
      %convert_element_type3A_316 = arith.extui %gt3A_315 : vector<16xi1> to vector<16xi32>
      %convert_element_type3A_317 = arith.sitofp %convert_element_type3A_316 : vector<16xi32> to vector<16xf32>
      %mul3A_318 = arith.mulf %mul3A_276, %convert_element_type3A_317 : vector<16xf32>
      %swap3A_319 = arith.constant 48 : index
      %swap3A_320 = tpu.vector_load %arg18[%swap3A_319] {strides = array<i32>} : memref<64xf32, #tpu.memory_space<vmem>>, vector<16xf32>,
      tpu.vector_store %arg18[%swap3A_319], %mul3A_318 {strides = array<i32>} : memref<64xf32, #tpu.memory_space<vmem>>, vector<16xf32>,
      %parallel_loop3A_321 = arith.constant 0 : i32
      %parallel_loop3A_322 = arith.constant 64 : i32
      %parallel_loop3A_323 = arith.constant 1 : i32
      scf.for %parallel_loop3A_591 = %parallel_loop3A_321 to %parallel_loop3A_322 step %parallel_loop3A_323  : i32 {
        %parallel_loop3A_592 = arith.constant 64 : i32
        %parallel_loop3A_593 = arith.addi %parallel_loop3A_592, %parallel_loop3A_591 : i32
        %parallel_loop3A_594 = vector.broadcast %parallel_loop3A_591 : i32 to vector<16xi32>
        %parallel_loop3A_595 = arith.addi %get3A_37, %parallel_loop3A_594 : vector<16xi32>
        %parallel_loop3A_596 = tpu.vector_load_idx %arg18[%parallel_loop3A_595] : memref<64xf32, #tpu.memory_space<vmem>>[vector<16xi32>], vector<16xf32>,
        %parallel_loop3A_597 = arith.index_cast %parallel_loop3A_593 : i32 to index
        %parallel_loop3A_598 = arith.constant 0 : index
        %parallel_loop3A_599 = tpu.vector_load %arg14[%parallel_loop3A_597, %parallel_loop3A_598] {strides = array<i32>} : memref<128x128xf32, #tpu.memory_space<vmem>>, vector<16xf32>,
        %parallel_loop3A_600 = arith.subf %parallel_loop3A_599, %gather3A_257 : vector<16xf32>
        %parallel_loop3A_601 = arith.mulf %parallel_loop3A_600, %parallel_loop3A_596 : vector<16xf32>
        %parallel_loop3A_602 = arith.constant 1 : i32
        %parallel_loop3A_603 = arith.index_cast %parallel_loop3A_602 : i32 to index
        %parallel_loop3A_604 = arith.index_cast %parallel_loop3A_591 : i32 to index
        %parallel_loop3A_605 = arith.constant 0 : index
        %parallel_loop3A_606 = tpu.vector_load %arg16[%parallel_loop3A_603, %parallel_loop3A_604, %parallel_loop3A_605] {strides = array<i32>} : memref<2x64x48xf32, #tpu.memory_space<vmem>>, vector<16xf32>,
        tpu.vector_store %arg16[%parallel_loop3A_603, %parallel_loop3A_604, %parallel_loop3A_605], %parallel_loop3A_601 {strides = array<i32>} : memref<2x64x48xf32, #tpu.memory_space<vmem>>, vector<16xf32>,
        %parallel_loop3A_607 = arith.index_cast %parallel_loop3A_593 : i32 to index
        %parallel_loop3A_608 = arith.constant 16 : index
        %parallel_loop3A_609 = tpu.vector_load %arg14[%parallel_loop3A_607, %parallel_loop3A_608] {strides = array<i32>} : memref<128x128xf32, #tpu.memory_space<vmem>>, vector<16xf32>,
        %parallel_loop3A_610 = arith.subf %parallel_loop3A_609, %gather3A_261 : vector<16xf32>
        %parallel_loop3A_611 = arith.mulf %parallel_loop3A_610, %parallel_loop3A_596 : vector<16xf32>
        %parallel_loop3A_612 = arith.constant 1 : i32
        %parallel_loop3A_613 = arith.index_cast %parallel_loop3A_612 : i32 to index
        %parallel_loop3A_614 = arith.index_cast %parallel_loop3A_591 : i32 to index
        %parallel_loop3A_615 = arith.constant 16 : index
        %parallel_loop3A_616 = tpu.vector_load %arg16[%parallel_loop3A_613, %parallel_loop3A_614, %parallel_loop3A_615] {strides = array<i32>} : memref<2x64x48xf32, #tpu.memory_space<vmem>>, vector<16xf32>,
        tpu.vector_store %arg16[%parallel_loop3A_613, %parallel_loop3A_614, %parallel_loop3A_615], %parallel_loop3A_611 {strides = array<i32>} : memref<2x64x48xf32, #tpu.memory_space<vmem>>, vector<16xf32>,
        %parallel_loop3A_617 = arith.index_cast %parallel_loop3A_593 : i32 to index
        %parallel_loop3A_618 = arith.constant 32 : index
        %parallel_loop3A_619 = tpu.vector_load %arg14[%parallel_loop3A_617, %parallel_loop3A_618] {strides = array<i32>} : memref<128x128xf32, #tpu.memory_space<vmem>>, vector<16xf32>,
        %parallel_loop3A_620 = arith.subf %parallel_loop3A_619, %gather3A_265 : vector<16xf32>
        %parallel_loop3A_621 = arith.mulf %parallel_loop3A_620, %parallel_loop3A_596 : vector<16xf32>
        %parallel_loop3A_622 = arith.constant 1 : i32
        %parallel_loop3A_623 = arith.index_cast %parallel_loop3A_622 : i32 to index
        %parallel_loop3A_624 = arith.index_cast %parallel_loop3A_591 : i32 to index
        %parallel_loop3A_625 = arith.constant 32 : index
        %parallel_loop3A_626 = tpu.vector_load %arg16[%parallel_loop3A_623, %parallel_loop3A_624, %parallel_loop3A_625] {strides = array<i32>} : memref<2x64x48xf32, #tpu.memory_space<vmem>>, vector<16xf32>,
        tpu.vector_store %arg16[%parallel_loop3A_623, %parallel_loop3A_624, %parallel_loop3A_625], %parallel_loop3A_621 {strides = array<i32>} : memref<2x64x48xf32, #tpu.memory_space<vmem>>, vector<16xf32>,
      } {sc.loop_unroll_factor = 8 : i64, sc.parallel_access}
      %sub3A_324 = arith.constant 1 : i32
      %sub3A_325 = arith.subi %select_n3A, %sub3A_324 : i32
      %min3A_326 = arith.minsi %add3A_141, %sub3A_325 : i32
      %mul3A_327 = arith.constant 32 : i32
      %mul3A_328 = arith.muli %min3A_326, %mul3A_327 : i32
      %add3A_329 = arith.addi %add3A, %mul3A_328 : i32
      %mul3A_330 = arith.constant 2 : i32
      %mul3A_331 = arith.muli %add3A_329, %mul3A_330 : i32
      %dma_start3A_332 = arith.constant 0 : i32
      %dma_start3A_333 = arith.constant 0 : i32
      %dma_start3A_334 = arith.constant 0 : i32
      %dma_start3A_335 = tpu.memref_slice %arg6[%dma_start3A_332, %mul3A_331, %dma_start3A_333, %dma_start3A_334] : memref<1x10000x64x48xf32, #tpu.memory_space<hbm>> -> memref<1x2x64x48xf32, #tpu.memory_space<hbm>>
      %dma_start3A_336 = tpu.memref_squeeze %dma_start3A_335 : memref<1x2x64x48xf32, #tpu.memory_space<hbm>> -> memref<2x64x48xf32, #tpu.memory_space<hbm>>
      %dma_start3A_337 = arith.constant 0 : i32
      %dma_start3A_338 = arith.constant 0 : i32
      %dma_start3A_339 = tpu.memref_slice %arg6[%dma_start3A_332, %mul3A_331, %dma_start3A_337, %dma_start3A_338] : memref<1x10000x64x48xf32, #tpu.memory_space<hbm>> -> memref<1x2x64x48xf32, #tpu.memory_space<hbm>>
      %dma_start3A_340 = tpu.memref_squeeze %dma_start3A_339 : memref<1x2x64x48xf32, #tpu.memory_space<hbm>> -> memref<2x64x48xf32, #tpu.memory_space<hbm>>
      tpu.enqueue_dma source(%arg16 : memref<2x64x48xf32, #tpu.memory_space<vmem>>) target(%dma_start3A_340 : memref<2x64x48xf32, #tpu.memory_space<hbm>>) target_semaphore(%arg26 : memref<!tpu.dma_semaphore, #tpu.memory_space<semaphore_mem>>)
      %add3A_341 = arith.constant 2 : i32
      %add3A_342 = arith.addi %add3A_141, %add3A_341 : i32
      %sub3A_343 = arith.constant 1 : i32
      %sub3A_344 = arith.subi %select_n3A, %sub3A_343 : i32
      %min3A_345 = arith.minsi %add3A_342, %sub3A_344 : i32
      %mul3A_346 = arith.constant 32 : i32
      %mul3A_347 = arith.muli %min3A_345, %mul3A_346 : i32
      %add3A_348 = arith.addi %add3A, %mul3A_347 : i32
      %mul3A_349 = arith.constant 128 : i32
      %mul3A_350 = arith.muli %add3A_348, %mul3A_349 : i32
      %dma_start3A_351 = tpu.memref_slice %arg3[%mul3A_350] : memref<640000xi32, #tpu.memory_space<hbm>> -> memref<128xi32, #tpu.memory_space<hbm>>
      %dma_start3A_352 = tpu.memref_slice %arg3[%mul3A_350] : memref<640000xi32, #tpu.memory_space<hbm>> -> memref<128xi32, #tpu.memory_space<hbm>>
      tpu.enqueue_dma source(%dma_start3A_352 : memref<128xi32, #tpu.memory_space<hbm>>) target(%arg8 : memref<128xi32, #tpu.memory_space<vmem>>) target_semaphore(%arg20 : memref<!tpu.dma_semaphore, #tpu.memory_space<semaphore_mem>>)
      %mul3A_353 = arith.constant 2 : i32
      %mul3A_354 = arith.muli %add3A_348, %mul3A_353 : i32
      %add3A_355 = vector.broadcast %mul3A_354 : i32 to vector<16xi32>
      %add3A_356 = arith.addi %get3A_41, %add3A_355 : vector<16xi32>
      %swap3A_357 = arith.constant 0 : index
      %swap3A_358 = tpu.vector_load %arg10[%swap3A_357] {strides = array<i32>} : memref<16xi32, #tpu.memory_space<vmem>>, vector<16xi32>,
      tpu.vector_store %arg10[%swap3A_357], %add3A_356 {strides = array<i32>} : memref<16xi32, #tpu.memory_space<vmem>>, vector<16xi32>,
      %dma_start3A_359 = arith.constant 0 : i32
      %dma_start3A_360 = arith.constant 0 : i32
      %dma_start3A_361 = tpu.memref_slice %arg2[%dma_start3A_359, %dma_start3A_360] : memref<10016x128xf32, #tpu.memory_space<hbm>> -> memref<10016x128xf32, #tpu.memory_space<hbm>>
      tpu.enqueue_indirect_dma source(%dma_start3A_361 : memref<10016x128xf32, #tpu.memory_space<hbm>>) target(%arg12 : memref<16x128xf32, #tpu.memory_space<vmem>>) offsets(%arg10 : memref<16xi32, #tpu.memory_space<vmem>>) semaphore(%arg22 : memref<!tpu.dma_semaphore, #tpu.memory_space<semaphore_mem>>)
      %mul3A_362 = arith.constant 2 : i32
      %mul3A_363 = arith.muli %mul3A_362, %scan3A_136 : i32
      %add3A_364 = arith.constant 1 : i32
      %add3A_365 = arith.addi %mul3A_363, %add3A_364 : i32
      %dma_wait3A_366 = arith.constant 0 : i32
      %dma_wait3A_367 = arith.constant 0 : i32
      %dma_wait3A_368 = tpu.memref_slice %arg15[%dma_wait3A_366, %dma_wait3A_367] : memref<128x128xf32, #tpu.memory_space<vmem>> -> memref<128x128xf32, #tpu.memory_space<vmem>>
      %dma_wait3A_369 = arith.constant 0 : i32
      %dma_wait3A_370 = tpu.memref_slice %arg9[%dma_wait3A_369] : memref<128xi32, #tpu.memory_space<vmem>> -> memref<128xi32, #tpu.memory_space<vmem>>
      %dma_wait3A_371 = arith.constant 0 : i32
      %dma_wait3A_372 = arith.constant 0 : i32
      %dma_wait3A_373 = tpu.memref_slice %arg2[%dma_wait3A_371, %dma_wait3A_372] : memref<10016x128xf32, #tpu.memory_space<hbm>> -> memref<10016x128xf32, #tpu.memory_space<hbm>>
      tpu.wait_indirect_dma semaphore(%arg25 : memref<!tpu.dma_semaphore, #tpu.memory_space<semaphore_mem>>) src(%dma_wait3A_373 : memref<10016x128xf32, #tpu.memory_space<hbm>>) dst(%dma_wait3A_368 : memref<128x128xf32, #tpu.memory_space<vmem>>)
      %dma_wait3A_374 = arith.constant 0 : i32
      %dma_wait3A_375 = arith.constant 0 : i32
      %dma_wait3A_376 = arith.constant 0 : i32
      %dma_wait3A_377 = arith.constant 0 : i32
      %dma_wait3A_378 = tpu.memref_slice %arg6[%dma_wait3A_374, %dma_wait3A_375, %dma_wait3A_376, %dma_wait3A_377] : memref<1x10000x64x48xf32, #tpu.memory_space<hbm>> -> memref<1x2x64x48xf32, #tpu.memory_space<hbm>>
      %dma_wait3A_379 = tpu.memref_squeeze %dma_wait3A_378 : memref<1x2x64x48xf32, #tpu.memory_space<hbm>> -> memref<2x64x48xf32, #tpu.memory_space<hbm>>
      %dma_wait3A_380 = arith.constant 0 : i32
      %dma_wait3A_381 = arith.constant 0 : i32
      %dma_wait3A_382 = arith.constant 0 : i32
      %dma_wait3A_383 = tpu.memref_slice %arg6[%dma_wait3A_374, %dma_wait3A_380, %dma_wait3A_381, %dma_wait3A_382] : memref<1x10000x64x48xf32, #tpu.memory_space<hbm>> -> memref<1x2x64x48xf32, #tpu.memory_space<hbm>>
      %dma_wait3A_384 = tpu.memref_squeeze %dma_wait3A_383 : memref<1x2x64x48xf32, #tpu.memory_space<hbm>> -> memref<2x64x48xf32, #tpu.memory_space<hbm>>
      tpu.wait_dma2 semaphore(%arg26 : memref<!tpu.dma_semaphore, #tpu.memory_space<semaphore_mem>>) src(%arg16 : memref<2x64x48xf32, #tpu.memory_space<vmem>>) dst(%dma_wait3A_384 : memref<2x64x48xf32, #tpu.memory_space<hbm>>)
      %dma_wait3A_385 = arith.constant 0 : i32
      %dma_wait3A_386 = tpu.memref_slice %arg3[%dma_wait3A_385] : memref<640000xi32, #tpu.memory_space<hbm>> -> memref<128xi32, #tpu.memory_space<hbm>>
      %dma_wait3A_387 = arith.constant 0 : i32
      %dma_wait3A_388 = tpu.memref_slice %arg3[%dma_wait3A_387] : memref<640000xi32, #tpu.memory_space<hbm>> -> memref<128xi32, #tpu.memory_space<hbm>>
      tpu.wait_dma2 semaphore(%arg20 : memref<!tpu.dma_semaphore, #tpu.memory_space<semaphore_mem>>) src(%dma_wait3A_388 : memref<128xi32, #tpu.memory_space<hbm>>) dst(%arg8 : memref<128xi32, #tpu.memory_space<vmem>>)
      %dma_wait3A_389 = arith.constant 0 : i32
      %dma_wait3A_390 = arith.constant 0 : i32
      %dma_wait3A_391 = tpu.memref_slice %arg2[%dma_wait3A_389, %dma_wait3A_390] : memref<10016x128xf32, #tpu.memory_space<hbm>> -> memref<10016x128xf32, #tpu.memory_space<hbm>>
      tpu.wait_indirect_dma semaphore(%arg22 : memref<!tpu.dma_semaphore, #tpu.memory_space<semaphore_mem>>) src(%dma_wait3A_391 : memref<10016x128xf32, #tpu.memory_space<hbm>>) dst(%arg12 : memref<16x128xf32, #tpu.memory_space<vmem>>)
      %dma_start3A_392 = arith.constant 0 : i32
      %dma_start3A_393 = arith.constant 0 : i32
      %dma_start3A_394 = tpu.memref_slice %arg14[%dma_start3A_392, %dma_start3A_393] : memref<128x128xf32, #tpu.memory_space<vmem>> -> memref<128x128xf32, #tpu.memory_space<vmem>>
      %dma_start3A_395 = arith.constant 0 : i32
      %dma_start3A_396 = tpu.memref_slice %arg8[%dma_start3A_395] : memref<128xi32, #tpu.memory_space<vmem>> -> memref<128xi32, #tpu.memory_space<vmem>>
      %dma_start3A_397 = arith.constant 0 : i32
      %dma_start3A_398 = arith.constant 0 : i32
      %dma_start3A_399 = tpu.memref_slice %arg2[%dma_start3A_397, %dma_start3A_398] : memref<10016x128xf32, #tpu.memory_space<hbm>> -> memref<10016x128xf32, #tpu.memory_space<hbm>>
      tpu.enqueue_indirect_dma source(%dma_start3A_399 : memref<10016x128xf32, #tpu.memory_space<hbm>>) target(%dma_start3A_394 : memref<128x128xf32, #tpu.memory_space<vmem>>) offsets(%dma_start3A_396 : memref<128xi32, #tpu.memory_space<vmem>>) semaphore(%arg24 : memref<!tpu.dma_semaphore, #tpu.memory_space<semaphore_mem>>)
      %sub3A_400 = arith.constant 1 : i32
      %sub3A_401 = arith.subi %select_n3A, %sub3A_400 : i32
      %min3A_402 = arith.minsi %add3A_365, %sub3A_401 : i32
      %mul3A_403 = arith.constant 32 : i32
      %mul3A_404 = arith.muli %min3A_402, %mul3A_403 : i32
      %add3A_405 = arith.addi %add3A, %mul3A_404 : i32
      %mul3A_406 = arith.constant 2 : i32
      %mul3A_407 = arith.muli %add3A_405, %mul3A_406 : i32
      %add3A_408 = arith.constant 0 : i32
      %add3A_409 = arith.addi %mul3A_407, %add3A_408 : i32
      %add3A_410 = arith.constant 0 : i32
      %add3A_411 = vector.broadcast %add3A_410 : i32 to vector<16xi32>
      %add3A_412 = arith.addi %get3A_37, %add3A_411 : vector<16xi32>
      %gather3A_413 = tpu.vector_load_idx %arg13[%add3A_412, %get3A_25] : memref<16x128xf32, #tpu.memory_space<vmem>>[vector<16xi32>, vector<16xi32>], vector<16xf32>,
      %add3A_414 = arith.constant 0 : i32
      %add3A_415 = vector.broadcast %add3A_414 : i32 to vector<16xi32>
      %add3A_416 = arith.addi %get3A_37, %add3A_415 : vector<16xi32>
      %gather3A_417 = tpu.vector_load_idx %arg13[%add3A_416, %get3A_29] : memref<16x128xf32, #tpu.memory_space<vmem>>[vector<16xi32>, vector<16xi32>], vector<16xf32>,
      %add3A_418 = arith.constant 0 : i32
      %add3A_419 = vector.broadcast %add3A_418 : i32 to vector<16xi32>
      %add3A_420 = arith.addi %get3A_37, %add3A_419 : vector<16xi32>
      %gather3A_421 = tpu.vector_load_idx %arg13[%add3A_420, %get3A_33] : memref<16x128xf32, #tpu.memory_space<vmem>>[vector<16xi32>, vector<16xi32>], vector<16xf32>,
      %add3A_422 = vector.broadcast %add3A_409 : i32 to vector<16xi32>
      %add3A_423 = arith.addi %get3A_37, %add3A_422 : vector<16xi32>
      %gather3A_424 = tpu.vector_load_idx %arg7[%add3A_423] : memref<10000xi32, #tpu.memory_space<vmem>>[vector<16xi32>], vector<16xi32>,
      %gt3A_425 = arith.constant 0 : i32
      %gt3A_426 = vector.broadcast %gt3A_425 : i32 to vector<16xi32>
      %gt3A_427 = arith.cmpi sgt, %gather3A_424, %gt3A_426 : vector<16xi32>
      %convert_element_type3A_428 = arith.extui %gt3A_427 : vector<16xi1> to vector<16xi32>
      %convert_element_type3A_429 = arith.sitofp %convert_element_type3A_428 : vector<16xi32> to vector<16xf32>
      %mul3A_430 = arith.constant 1.000000e-01 : f32
      %mul3A_431 = vector.broadcast %mul3A_430 : f32 to vector<16xf32>
      %mul3A_432 = arith.mulf %convert_element_type3A_429, %mul3A_431 : vector<16xf32>
      %get3A_433 = arith.constant 0 : index
      %get3A_434 = tpu.vector_load %arg9[%get3A_433] {strides = array<i32>} : memref<128xi32, #tpu.memory_space<vmem>>, vector<16xi32>,
      %gather3A_435 = tpu.vector_load_idx %arg7[%get3A_434] : memref<10000xi32, #tpu.memory_space<vmem>>[vector<16xi32>], vector<16xi32>,
      %gt3A_436 = arith.constant 0 : i32
      %gt3A_437 = vector.broadcast %gt3A_436 : i32 to vector<16xi32>
      %gt3A_438 = arith.cmpi sgt, %gather3A_435, %gt3A_437 : vector<16xi32>
      %convert_element_type3A_439 = arith.extui %gt3A_438 : vector<16xi1> to vector<16xi32>
      %convert_element_type3A_440 = arith.sitofp %convert_element_type3A_439 : vector<16xi32> to vector<16xf32>
      %mul3A_441 = arith.mulf %mul3A_432, %convert_element_type3A_440 : vector<16xf32>
      %swap3A_442 = arith.constant 0 : index
      %swap3A_443 = tpu.vector_load %arg18[%swap3A_442] {strides = array<i32>} : memref<64xf32, #tpu.memory_space<vmem>>, vector<16xf32>,
      tpu.vector_store %arg18[%swap3A_442], %mul3A_441 {strides = array<i32>} : memref<64xf32, #tpu.memory_space<vmem>>, vector<16xf32>,
      %get3A_444 = arith.constant 16 : index
      %get3A_445 = tpu.vector_load %arg9[%get3A_444] {strides = array<i32>} : memref<128xi32, #tpu.memory_space<vmem>>, vector<16xi32>,
      %gather3A_446 = tpu.vector_load_idx %arg7[%get3A_445] : memref<10000xi32, #tpu.memory_space<vmem>>[vector<16xi32>], vector<16xi32>,
      %gt3A_447 = arith.constant 0 : i32
      %gt3A_448 = vector.broadcast %gt3A_447 : i32 to vector<16xi32>
      %gt3A_449 = arith.cmpi sgt, %gather3A_446, %gt3A_448 : vector<16xi32>
      %convert_element_type3A_450 = arith.extui %gt3A_449 : vector<16xi1> to vector<16xi32>
      %convert_element_type3A_451 = arith.sitofp %convert_element_type3A_450 : vector<16xi32> to vector<16xf32>
      %mul3A_452 = arith.mulf %mul3A_432, %convert_element_type3A_451 : vector<16xf32>
      %swap3A_453 = arith.constant 16 : index
      %swap3A_454 = tpu.vector_load %arg18[%swap3A_453] {strides = array<i32>} : memref<64xf32, #tpu.memory_space<vmem>>, vector<16xf32>,
      tpu.vector_store %arg18[%swap3A_453], %mul3A_452 {strides = array<i32>} : memref<64xf32, #tpu.memory_space<vmem>>, vector<16xf32>,
      %get3A_455 = arith.constant 32 : index
      %get3A_456 = tpu.vector_load %arg9[%get3A_455] {strides = array<i32>} : memref<128xi32, #tpu.memory_space<vmem>>, vector<16xi32>,
      %gather3A_457 = tpu.vector_load_idx %arg7[%get3A_456] : memref<10000xi32, #tpu.memory_space<vmem>>[vector<16xi32>], vector<16xi32>,
      %gt3A_458 = arith.constant 0 : i32
      %gt3A_459 = vector.broadcast %gt3A_458 : i32 to vector<16xi32>
      %gt3A_460 = arith.cmpi sgt, %gather3A_457, %gt3A_459 : vector<16xi32>
      %convert_element_type3A_461 = arith.extui %gt3A_460 : vector<16xi1> to vector<16xi32>
      %convert_element_type3A_462 = arith.sitofp %convert_element_type3A_461 : vector<16xi32> to vector<16xf32>
      %mul3A_463 = arith.mulf %mul3A_432, %convert_element_type3A_462 : vector<16xf32>
      %swap3A_464 = arith.constant 32 : index
      %swap3A_465 = tpu.vector_load %arg18[%swap3A_464] {strides = array<i32>} : memref<64xf32, #tpu.memory_space<vmem>>, vector<16xf32>,
      tpu.vector_store %arg18[%swap3A_464], %mul3A_463 {strides = array<i32>} : memref<64xf32, #tpu.memory_space<vmem>>, vector<16xf32>,
      %get3A_466 = arith.constant 48 : index
      %get3A_467 = tpu.vector_load %arg9[%get3A_466] {strides = array<i32>} : memref<128xi32, #tpu.memory_space<vmem>>, vector<16xi32>,
      %gather3A_468 = tpu.vector_load_idx %arg7[%get3A_467] : memref<10000xi32, #tpu.memory_space<vmem>>[vector<16xi32>], vector<16xi32>,
      %gt3A_469 = arith.constant 0 : i32
      %gt3A_470 = vector.broadcast %gt3A_469 : i32 to vector<16xi32>
      %gt3A_471 = arith.cmpi sgt, %gather3A_468, %gt3A_470 : vector<16xi32>
      %convert_element_type3A_472 = arith.extui %gt3A_471 : vector<16xi1> to vector<16xi32>
      %convert_element_type3A_473 = arith.sitofp %convert_element_type3A_472 : vector<16xi32> to vector<16xf32>
      %mul3A_474 = arith.mulf %mul3A_432, %convert_element_type3A_473 : vector<16xf32>
      %swap3A_475 = arith.constant 48 : index
      %swap3A_476 = tpu.vector_load %arg18[%swap3A_475] {strides = array<i32>} : memref<64xf32, #tpu.memory_space<vmem>>, vector<16xf32>,
      tpu.vector_store %arg18[%swap3A_475], %mul3A_474 {strides = array<i32>} : memref<64xf32, #tpu.memory_space<vmem>>, vector<16xf32>,
      %parallel_loop3A_477 = arith.constant 0 : i32
      %parallel_loop3A_478 = arith.constant 64 : i32
      %parallel_loop3A_479 = arith.constant 1 : i32
      scf.for %parallel_loop3A_591 = %parallel_loop3A_477 to %parallel_loop3A_478 step %parallel_loop3A_479  : i32 {
        %parallel_loop3A_592 = arith.constant 0 : i32
        %parallel_loop3A_593 = arith.addi %parallel_loop3A_592, %parallel_loop3A_591 : i32
        %parallel_loop3A_594 = vector.broadcast %parallel_loop3A_591 : i32 to vector<16xi32>
        %parallel_loop3A_595 = arith.addi %get3A_37, %parallel_loop3A_594 : vector<16xi32>
        %parallel_loop3A_596 = tpu.vector_load_idx %arg18[%parallel_loop3A_595] : memref<64xf32, #tpu.memory_space<vmem>>[vector<16xi32>], vector<16xf32>,
        %parallel_loop3A_597 = arith.index_cast %parallel_loop3A_593 : i32 to index
        %parallel_loop3A_598 = arith.constant 0 : index
        %parallel_loop3A_599 = tpu.vector_load %arg15[%parallel_loop3A_597, %parallel_loop3A_598] {strides = array<i32>} : memref<128x128xf32, #tpu.memory_space<vmem>>, vector<16xf32>,
        %parallel_loop3A_600 = arith.subf %parallel_loop3A_599, %gather3A_413 : vector<16xf32>
        %parallel_loop3A_601 = arith.mulf %parallel_loop3A_600, %parallel_loop3A_596 : vector<16xf32>
        %parallel_loop3A_602 = arith.constant 0 : i32
        %parallel_loop3A_603 = arith.index_cast %parallel_loop3A_602 : i32 to index
        %parallel_loop3A_604 = arith.index_cast %parallel_loop3A_591 : i32 to index
        %parallel_loop3A_605 = arith.constant 0 : index
        %parallel_loop3A_606 = tpu.vector_load %arg17[%parallel_loop3A_603, %parallel_loop3A_604, %parallel_loop3A_605] {strides = array<i32>} : memref<2x64x48xf32, #tpu.memory_space<vmem>>, vector<16xf32>,
        tpu.vector_store %arg17[%parallel_loop3A_603, %parallel_loop3A_604, %parallel_loop3A_605], %parallel_loop3A_601 {strides = array<i32>} : memref<2x64x48xf32, #tpu.memory_space<vmem>>, vector<16xf32>,
        %parallel_loop3A_607 = arith.index_cast %parallel_loop3A_593 : i32 to index
        %parallel_loop3A_608 = arith.constant 16 : index
        %parallel_loop3A_609 = tpu.vector_load %arg15[%parallel_loop3A_607, %parallel_loop3A_608] {strides = array<i32>} : memref<128x128xf32, #tpu.memory_space<vmem>>, vector<16xf32>,
        %parallel_loop3A_610 = arith.subf %parallel_loop3A_609, %gather3A_417 : vector<16xf32>
        %parallel_loop3A_611 = arith.mulf %parallel_loop3A_610, %parallel_loop3A_596 : vector<16xf32>
        %parallel_loop3A_612 = arith.constant 0 : i32
        %parallel_loop3A_613 = arith.index_cast %parallel_loop3A_612 : i32 to index
        %parallel_loop3A_614 = arith.index_cast %parallel_loop3A_591 : i32 to index
        %parallel_loop3A_615 = arith.constant 16 : index
        %parallel_loop3A_616 = tpu.vector_load %arg17[%parallel_loop3A_613, %parallel_loop3A_614, %parallel_loop3A_615] {strides = array<i32>} : memref<2x64x48xf32, #tpu.memory_space<vmem>>, vector<16xf32>,
        tpu.vector_store %arg17[%parallel_loop3A_613, %parallel_loop3A_614, %parallel_loop3A_615], %parallel_loop3A_611 {strides = array<i32>} : memref<2x64x48xf32, #tpu.memory_space<vmem>>, vector<16xf32>,
        %parallel_loop3A_617 = arith.index_cast %parallel_loop3A_593 : i32 to index
        %parallel_loop3A_618 = arith.constant 32 : index
        %parallel_loop3A_619 = tpu.vector_load %arg15[%parallel_loop3A_617, %parallel_loop3A_618] {strides = array<i32>} : memref<128x128xf32, #tpu.memory_space<vmem>>, vector<16xf32>,
        %parallel_loop3A_620 = arith.subf %parallel_loop3A_619, %gather3A_421 : vector<16xf32>
        %parallel_loop3A_621 = arith.mulf %parallel_loop3A_620, %parallel_loop3A_596 : vector<16xf32>
        %parallel_loop3A_622 = arith.constant 0 : i32
        %parallel_loop3A_623 = arith.index_cast %parallel_loop3A_622 : i32 to index
        %parallel_loop3A_624 = arith.index_cast %parallel_loop3A_591 : i32 to index
        %parallel_loop3A_625 = arith.constant 32 : index
        %parallel_loop3A_626 = tpu.vector_load %arg17[%parallel_loop3A_623, %parallel_loop3A_624, %parallel_loop3A_625] {strides = array<i32>} : memref<2x64x48xf32, #tpu.memory_space<vmem>>, vector<16xf32>,
        tpu.vector_store %arg17[%parallel_loop3A_623, %parallel_loop3A_624, %parallel_loop3A_625], %parallel_loop3A_621 {strides = array<i32>} : memref<2x64x48xf32, #tpu.memory_space<vmem>>, vector<16xf32>,
      } {sc.loop_unroll_factor = 8 : i64, sc.parallel_access}
      %add3A_480 = arith.constant 1 : i32
      %add3A_481 = arith.addi %mul3A_407, %add3A_480 : i32
      %add3A_482 = arith.constant 1 : i32
      %add3A_483 = vector.broadcast %add3A_482 : i32 to vector<16xi32>
      %add3A_484 = arith.addi %get3A_37, %add3A_483 : vector<16xi32>
      %gather3A_485 = tpu.vector_load_idx %arg13[%add3A_484, %get3A_25] : memref<16x128xf32, #tpu.memory_space<vmem>>[vector<16xi32>, vector<16xi32>], vector<16xf32>,
      %add3A_486 = arith.constant 1 : i32
      %add3A_487 = vector.broadcast %add3A_486 : i32 to vector<16xi32>
      %add3A_488 = arith.addi %get3A_37, %add3A_487 : vector<16xi32>
      %gather3A_489 = tpu.vector_load_idx %arg13[%add3A_488, %get3A_29] : memref<16x128xf32, #tpu.memory_space<vmem>>[vector<16xi32>, vector<16xi32>], vector<16xf32>,
      %add3A_490 = arith.constant 1 : i32
      %add3A_491 = vector.broadcast %add3A_490 : i32 to vector<16xi32>
      %add3A_492 = arith.addi %get3A_37, %add3A_491 : vector<16xi32>
      %gather3A_493 = tpu.vector_load_idx %arg13[%add3A_492, %get3A_33] : memref<16x128xf32, #tpu.memory_space<vmem>>[vector<16xi32>, vector<16xi32>], vector<16xf32>,
      %add3A_494 = vector.broadcast %add3A_481 : i32 to vector<16xi32>
      %add3A_495 = arith.addi %get3A_37, %add3A_494 : vector<16xi32>
      %gather3A_496 = tpu.vector_load_idx %arg7[%add3A_495] : memref<10000xi32, #tpu.memory_space<vmem>>[vector<16xi32>], vector<16xi32>,
      %gt3A_497 = arith.constant 0 : i32
      %gt3A_498 = vector.broadcast %gt3A_497 : i32 to vector<16xi32>
      %gt3A_499 = arith.cmpi sgt, %gather3A_496, %gt3A_498 : vector<16xi32>
      %convert_element_type3A_500 = arith.extui %gt3A_499 : vector<16xi1> to vector<16xi32>
      %convert_element_type3A_501 = arith.sitofp %convert_element_type3A_500 : vector<16xi32> to vector<16xf32>
      %mul3A_502 = arith.constant 1.000000e-01 : f32
      %mul3A_503 = vector.broadcast %mul3A_502 : f32 to vector<16xf32>
      %mul3A_504 = arith.mulf %convert_element_type3A_501, %mul3A_503 : vector<16xf32>
      %get3A_505 = arith.constant 64 : index
      %get3A_506 = tpu.vector_load %arg9[%get3A_505] {strides = array<i32>} : memref<128xi32, #tpu.memory_space<vmem>>, vector<16xi32>,
      %gather3A_507 = tpu.vector_load_idx %arg7[%get3A_506] : memref<10000xi32, #tpu.memory_space<vmem>>[vector<16xi32>], vector<16xi32>,
      %gt3A_508 = arith.constant 0 : i32
      %gt3A_509 = vector.broadcast %gt3A_508 : i32 to vector<16xi32>
      %gt3A_510 = arith.cmpi sgt, %gather3A_507, %gt3A_509 : vector<16xi32>
      %convert_element_type3A_511 = arith.extui %gt3A_510 : vector<16xi1> to vector<16xi32>
      %convert_element_type3A_512 = arith.sitofp %convert_element_type3A_511 : vector<16xi32> to vector<16xf32>
      %mul3A_513 = arith.mulf %mul3A_504, %convert_element_type3A_512 : vector<16xf32>
      %swap3A_514 = arith.constant 0 : index
      %swap3A_515 = tpu.vector_load %arg18[%swap3A_514] {strides = array<i32>} : memref<64xf32, #tpu.memory_space<vmem>>, vector<16xf32>,
      tpu.vector_store %arg18[%swap3A_514], %mul3A_513 {strides = array<i32>} : memref<64xf32, #tpu.memory_space<vmem>>, vector<16xf32>,
      %get3A_516 = arith.constant 80 : index
      %get3A_517 = tpu.vector_load %arg9[%get3A_516] {strides = array<i32>} : memref<128xi32, #tpu.memory_space<vmem>>, vector<16xi32>,
      %gather3A_518 = tpu.vector_load_idx %arg7[%get3A_517] : memref<10000xi32, #tpu.memory_space<vmem>>[vector<16xi32>], vector<16xi32>,
      %gt3A_519 = arith.constant 0 : i32
      %gt3A_520 = vector.broadcast %gt3A_519 : i32 to vector<16xi32>
      %gt3A_521 = arith.cmpi sgt, %gather3A_518, %gt3A_520 : vector<16xi32>
      %convert_element_type3A_522 = arith.extui %gt3A_521 : vector<16xi1> to vector<16xi32>
      %convert_element_type3A_523 = arith.sitofp %convert_element_type3A_522 : vector<16xi32> to vector<16xf32>
      %mul3A_524 = arith.mulf %mul3A_504, %convert_element_type3A_523 : vector<16xf32>
      %swap3A_525 = arith.constant 16 : index
      %swap3A_526 = tpu.vector_load %arg18[%swap3A_525] {strides = array<i32>} : memref<64xf32, #tpu.memory_space<vmem>>, vector<16xf32>,
      tpu.vector_store %arg18[%swap3A_525], %mul3A_524 {strides = array<i32>} : memref<64xf32, #tpu.memory_space<vmem>>, vector<16xf32>,
      %get3A_527 = arith.constant 96 : index
      %get3A_528 = tpu.vector_load %arg9[%get3A_527] {strides = array<i32>} : memref<128xi32, #tpu.memory_space<vmem>>, vector<16xi32>,
      %gather3A_529 = tpu.vector_load_idx %arg7[%get3A_528] : memref<10000xi32, #tpu.memory_space<vmem>>[vector<16xi32>], vector<16xi32>,
      %gt3A_530 = arith.constant 0 : i32
      %gt3A_531 = vector.broadcast %gt3A_530 : i32 to vector<16xi32>
      %gt3A_532 = arith.cmpi sgt, %gather3A_529, %gt3A_531 : vector<16xi32>
      %convert_element_type3A_533 = arith.extui %gt3A_532 : vector<16xi1> to vector<16xi32>
      %convert_element_type3A_534 = arith.sitofp %convert_element_type3A_533 : vector<16xi32> to vector<16xf32>
      %mul3A_535 = arith.mulf %mul3A_504, %convert_element_type3A_534 : vector<16xf32>
      %swap3A_536 = arith.constant 32 : index
      %swap3A_537 = tpu.vector_load %arg18[%swap3A_536] {strides = array<i32>} : memref<64xf32, #tpu.memory_space<vmem>>, vector<16xf32>,
      tpu.vector_store %arg18[%swap3A_536], %mul3A_535 {strides = array<i32>} : memref<64xf32, #tpu.memory_space<vmem>>, vector<16xf32>,
      %get3A_538 = arith.constant 112 : index
      %get3A_539 = tpu.vector_load %arg9[%get3A_538] {strides = array<i32>} : memref<128xi32, #tpu.memory_space<vmem>>, vector<16xi32>,
      %gather3A_540 = tpu.vector_load_idx %arg7[%get3A_539] : memref<10000xi32, #tpu.memory_space<vmem>>[vector<16xi32>], vector<16xi32>,
      %gt3A_541 = arith.constant 0 : i32
      %gt3A_542 = vector.broadcast %gt3A_541 : i32 to vector<16xi32>
      %gt3A_543 = arith.cmpi sgt, %gather3A_540, %gt3A_542 : vector<16xi32>
      %convert_element_type3A_544 = arith.extui %gt3A_543 : vector<16xi1> to vector<16xi32>
      %convert_element_type3A_545 = arith.sitofp %convert_element_type3A_544 : vector<16xi32> to vector<16xf32>
      %mul3A_546 = arith.mulf %mul3A_504, %convert_element_type3A_545 : vector<16xf32>
      %swap3A_547 = arith.constant 48 : index
      %swap3A_548 = tpu.vector_load %arg18[%swap3A_547] {strides = array<i32>} : memref<64xf32, #tpu.memory_space<vmem>>, vector<16xf32>,
      tpu.vector_store %arg18[%swap3A_547], %mul3A_546 {strides = array<i32>} : memref<64xf32, #tpu.memory_space<vmem>>, vector<16xf32>,
      %parallel_loop3A_549 = arith.constant 0 : i32
      %parallel_loop3A_550 = arith.constant 64 : i32
      %parallel_loop3A_551 = arith.constant 1 : i32
      scf.for %parallel_loop3A_591 = %parallel_loop3A_549 to %parallel_loop3A_550 step %parallel_loop3A_551  : i32 {
        %parallel_loop3A_592 = arith.constant 64 : i32
        %parallel_loop3A_593 = arith.addi %parallel_loop3A_592, %parallel_loop3A_591 : i32
        %parallel_loop3A_594 = vector.broadcast %parallel_loop3A_591 : i32 to vector<16xi32>
        %parallel_loop3A_595 = arith.addi %get3A_37, %parallel_loop3A_594 : vector<16xi32>
        %parallel_loop3A_596 = tpu.vector_load_idx %arg18[%parallel_loop3A_595] : memref<64xf32, #tpu.memory_space<vmem>>[vector<16xi32>], vector<16xf32>,
        %parallel_loop3A_597 = arith.index_cast %parallel_loop3A_593 : i32 to index
        %parallel_loop3A_598 = arith.constant 0 : index
        %parallel_loop3A_599 = tpu.vector_load %arg15[%parallel_loop3A_597, %parallel_loop3A_598] {strides = array<i32>} : memref<128x128xf32, #tpu.memory_space<vmem>>, vector<16xf32>,
        %parallel_loop3A_600 = arith.subf %parallel_loop3A_599, %gather3A_485 : vector<16xf32>
        %parallel_loop3A_601 = arith.mulf %parallel_loop3A_600, %parallel_loop3A_596 : vector<16xf32>
        %parallel_loop3A_602 = arith.constant 1 : i32
        %parallel_loop3A_603 = arith.index_cast %parallel_loop3A_602 : i32 to index
        %parallel_loop3A_604 = arith.index_cast %parallel_loop3A_591 : i32 to index
        %parallel_loop3A_605 = arith.constant 0 : index
        %parallel_loop3A_606 = tpu.vector_load %arg17[%parallel_loop3A_603, %parallel_loop3A_604, %parallel_loop3A_605] {strides = array<i32>} : memref<2x64x48xf32, #tpu.memory_space<vmem>>, vector<16xf32>,
        tpu.vector_store %arg17[%parallel_loop3A_603, %parallel_loop3A_604, %parallel_loop3A_605], %parallel_loop3A_601 {strides = array<i32>} : memref<2x64x48xf32, #tpu.memory_space<vmem>>, vector<16xf32>,
        %parallel_loop3A_607 = arith.index_cast %parallel_loop3A_593 : i32 to index
        %parallel_loop3A_608 = arith.constant 16 : index
        %parallel_loop3A_609 = tpu.vector_load %arg15[%parallel_loop3A_607, %parallel_loop3A_608] {strides = array<i32>} : memref<128x128xf32, #tpu.memory_space<vmem>>, vector<16xf32>,
        %parallel_loop3A_610 = arith.subf %parallel_loop3A_609, %gather3A_489 : vector<16xf32>
        %parallel_loop3A_611 = arith.mulf %parallel_loop3A_610, %parallel_loop3A_596 : vector<16xf32>
        %parallel_loop3A_612 = arith.constant 1 : i32
        %parallel_loop3A_613 = arith.index_cast %parallel_loop3A_612 : i32 to index
        %parallel_loop3A_614 = arith.index_cast %parallel_loop3A_591 : i32 to index
        %parallel_loop3A_615 = arith.constant 16 : index
        %parallel_loop3A_616 = tpu.vector_load %arg17[%parallel_loop3A_613, %parallel_loop3A_614, %parallel_loop3A_615] {strides = array<i32>} : memref<2x64x48xf32, #tpu.memory_space<vmem>>, vector<16xf32>,
        tpu.vector_store %arg17[%parallel_loop3A_613, %parallel_loop3A_614, %parallel_loop3A_615], %parallel_loop3A_611 {strides = array<i32>} : memref<2x64x48xf32, #tpu.memory_space<vmem>>, vector<16xf32>,
        %parallel_loop3A_617 = arith.index_cast %parallel_loop3A_593 : i32 to index
        %parallel_loop3A_618 = arith.constant 32 : index
        %parallel_loop3A_619 = tpu.vector_load %arg15[%parallel_loop3A_617, %parallel_loop3A_618] {strides = array<i32>} : memref<128x128xf32, #tpu.memory_space<vmem>>, vector<16xf32>,
        %parallel_loop3A_620 = arith.subf %parallel_loop3A_619, %gather3A_493 : vector<16xf32>
        %parallel_loop3A_621 = arith.mulf %parallel_loop3A_620, %parallel_loop3A_596 : vector<16xf32>
        %parallel_loop3A_622 = arith.constant 1 : i32
        %parallel_loop3A_623 = arith.index_cast %parallel_loop3A_622 : i32 to index
        %parallel_loop3A_624 = arith.index_cast %parallel_loop3A_591 : i32 to index
        %parallel_loop3A_625 = arith.constant 32 : index
        %parallel_loop3A_626 = tpu.vector_load %arg17[%parallel_loop3A_623, %parallel_loop3A_624, %parallel_loop3A_625] {strides = array<i32>} : memref<2x64x48xf32, #tpu.memory_space<vmem>>, vector<16xf32>,
        tpu.vector_store %arg17[%parallel_loop3A_623, %parallel_loop3A_624, %parallel_loop3A_625], %parallel_loop3A_621 {strides = array<i32>} : memref<2x64x48xf32, #tpu.memory_space<vmem>>, vector<16xf32>,
      } {sc.loop_unroll_factor = 8 : i64, sc.parallel_access}
      %sub3A_552 = arith.constant 1 : i32
      %sub3A_553 = arith.subi %select_n3A, %sub3A_552 : i32
      %min3A_554 = arith.minsi %add3A_365, %sub3A_553 : i32
      %mul3A_555 = arith.constant 32 : i32
      %mul3A_556 = arith.muli %min3A_554, %mul3A_555 : i32
      %add3A_557 = arith.addi %add3A, %mul3A_556 : i32
      %mul3A_558 = arith.constant 2 : i32
      %mul3A_559 = arith.muli %add3A_557, %mul3A_558 : i32
      %dma_start3A_560 = arith.constant 0 : i32
      %dma_start3A_561 = arith.constant 0 : i32
      %dma_start3A_562 = arith.constant 0 : i32
      %dma_start3A_563 = tpu.memref_slice %arg6[%dma_start3A_560, %mul3A_559, %dma_start3A_561, %dma_start3A_562] : memref<1x10000x64x48xf32, #tpu.memory_space<hbm>> -> memref<1x2x64x48xf32, #tpu.memory_space<hbm>>
      %dma_start3A_564 = tpu.memref_squeeze %dma_start3A_563 : memref<1x2x64x48xf32, #tpu.memory_space<hbm>> -> memref<2x64x48xf32, #tpu.memory_space<hbm>>
      %dma_start3A_565 = arith.constant 0 : i32
      %dma_start3A_566 = arith.constant 0 : i32
      %dma_start3A_567 = tpu.memref_slice %arg6[%dma_start3A_560, %mul3A_559, %dma_start3A_565, %dma_start3A_566] : memref<1x10000x64x48xf32, #tpu.memory_space<hbm>> -> memref<1x2x64x48xf32, #tpu.memory_space<hbm>>
      %dma_start3A_568 = tpu.memref_squeeze %dma_start3A_567 : memref<1x2x64x48xf32, #tpu.memory_space<hbm>> -> memref<2x64x48xf32, #tpu.memory_space<hbm>>
      tpu.enqueue_dma source(%arg17 : memref<2x64x48xf32, #tpu.memory_space<vmem>>) target(%dma_start3A_568 : memref<2x64x48xf32, #tpu.memory_space<hbm>>) target_semaphore(%arg27 : memref<!tpu.dma_semaphore, #tpu.memory_space<semaphore_mem>>)
      %add3A_569 = arith.constant 2 : i32
      %add3A_570 = arith.addi %add3A_365, %add3A_569 : i32
      %sub3A_571 = arith.constant 1 : i32
      %sub3A_572 = arith.subi %select_n3A, %sub3A_571 : i32
      %min3A_573 = arith.minsi %add3A_570, %sub3A_572 : i32
      %mul3A_574 = arith.constant 32 : i32
      %mul3A_575 = arith.muli %min3A_573, %mul3A_574 : i32
      %add3A_576 = arith.addi %add3A, %mul3A_575 : i32
      %mul3A_577 = arith.constant 128 : i32
      %mul3A_578 = arith.muli %add3A_576, %mul3A_577 : i32
      %dma_start3A_579 = tpu.memref_slice %arg3[%mul3A_578] : memref<640000xi32, #tpu.memory_space<hbm>> -> memref<128xi32, #tpu.memory_space<hbm>>
      %dma_start3A_580 = tpu.memref_slice %arg3[%mul3A_578] : memref<640000xi32, #tpu.memory_space<hbm>> -> memref<128xi32, #tpu.memory_space<hbm>>
      tpu.enqueue_dma source(%dma_start3A_580 : memref<128xi32, #tpu.memory_space<hbm>>) target(%arg9 : memref<128xi32, #tpu.memory_space<vmem>>) target_semaphore(%arg21 : memref<!tpu.dma_semaphore, #tpu.memory_space<semaphore_mem>>)
      %mul3A_581 = arith.constant 2 : i32
      %mul3A_582 = arith.muli %add3A_576, %mul3A_581 : i32
      %add3A_583 = vector.broadcast %mul3A_582 : i32 to vector<16xi32>
      %add3A_584 = arith.addi %get3A_41, %add3A_583 : vector<16xi32>
      %swap3A_585 = arith.constant 0 : index
      %swap3A_586 = tpu.vector_load %arg11[%swap3A_585] {strides = array<i32>} : memref<16xi32, #tpu.memory_space<vmem>>, vector<16xi32>,
      tpu.vector_store %arg11[%swap3A_585], %add3A_584 {strides = array<i32>} : memref<16xi32, #tpu.memory_space<vmem>>, vector<16xi32>,
      %dma_start3A_587 = arith.constant 0 : i32
      %dma_start3A_588 = arith.constant 0 : i32
      %dma_start3A_589 = tpu.memref_slice %arg2[%dma_start3A_587, %dma_start3A_588] : memref<10016x128xf32, #tpu.memory_space<hbm>> -> memref<10016x128xf32, #tpu.memory_space<hbm>>
      tpu.enqueue_indirect_dma source(%dma_start3A_589 : memref<10016x128xf32, #tpu.memory_space<hbm>>) target(%arg13 : memref<16x128xf32, #tpu.memory_space<vmem>>) offsets(%arg11 : memref<16xi32, #tpu.memory_space<vmem>>) semaphore(%arg23 : memref<!tpu.dma_semaphore, #tpu.memory_space<semaphore_mem>>)
      %scan3A_590 = arith.constant 0 : i32
      scf.yield %scan3A_590 : i32
    }
    %scan3A_109 = arith.constant 79 : i32
    %dma_wait3A_110 = arith.constant 0 : i32
    %dma_wait3A_111 = arith.constant 0 : i32
    %dma_wait3A_112 = arith.constant 0 : i32
    %dma_wait3A_113 = arith.constant 0 : i32
    %dma_wait3A_114 = tpu.memref_slice %arg6[%dma_wait3A_110, %dma_wait3A_111, %dma_wait3A_112, %dma_wait3A_113] : memref<1x10000x64x48xf32, #tpu.memory_space<hbm>> -> memref<1x2x64x48xf32, #tpu.memory_space<hbm>>
    %dma_wait3A_115 = tpu.memref_squeeze %dma_wait3A_114 : memref<1x2x64x48xf32, #tpu.memory_space<hbm>> -> memref<2x64x48xf32, #tpu.memory_space<hbm>>
    %dma_wait3A_116 = arith.constant 0 : i32
    %dma_wait3A_117 = arith.constant 0 : i32
    %dma_wait3A_118 = arith.constant 0 : i32
    %dma_wait3A_119 = tpu.memref_slice %arg6[%dma_wait3A_110, %dma_wait3A_116, %dma_wait3A_117, %dma_wait3A_118] : memref<1x10000x64x48xf32, #tpu.memory_space<hbm>> -> memref<1x2x64x48xf32, #tpu.memory_space<hbm>>
    %dma_wait3A_120 = tpu.memref_squeeze %dma_wait3A_119 : memref<1x2x64x48xf32, #tpu.memory_space<hbm>> -> memref<2x64x48xf32, #tpu.memory_space<hbm>>
    tpu.wait_dma2 semaphore(%arg27 : memref<!tpu.dma_semaphore, #tpu.memory_space<semaphore_mem>>) src(%arg17 : memref<2x64x48xf32, #tpu.memory_space<vmem>>) dst(%dma_wait3A_120 : memref<2x64x48xf32, #tpu.memory_space<hbm>>)
    %dma_wait3A_121 = arith.constant 0 : i32
    %dma_wait3A_122 = arith.constant 0 : i32
    %dma_wait3A_123 = tpu.memref_slice %arg14[%dma_wait3A_121, %dma_wait3A_122] : memref<128x128xf32, #tpu.memory_space<vmem>> -> memref<128x128xf32, #tpu.memory_space<vmem>>
    %dma_wait3A_124 = arith.constant 0 : i32
    %dma_wait3A_125 = tpu.memref_slice %arg8[%dma_wait3A_124] : memref<128xi32, #tpu.memory_space<vmem>> -> memref<128xi32, #tpu.memory_space<vmem>>
    %dma_wait3A_126 = arith.constant 0 : i32
    %dma_wait3A_127 = arith.constant 0 : i32
    %dma_wait3A_128 = tpu.memref_slice %arg2[%dma_wait3A_126, %dma_wait3A_127] : memref<10016x128xf32, #tpu.memory_space<hbm>> -> memref<10016x128xf32, #tpu.memory_space<hbm>>
    tpu.wait_indirect_dma semaphore(%arg24 : memref<!tpu.dma_semaphore, #tpu.memory_space<semaphore_mem>>) src(%dma_wait3A_128 : memref<10016x128xf32, #tpu.memory_space<hbm>>) dst(%dma_wait3A_123 : memref<128x128xf32, #tpu.memory_space<vmem>>)
    %dma_wait3A_129 = arith.constant 0 : i32
    %dma_wait3A_130 = tpu.memref_slice %arg3[%dma_wait3A_129] : memref<640000xi32, #tpu.memory_space<hbm>> -> memref<128xi32, #tpu.memory_space<hbm>>
    %dma_wait3A_131 = arith.constant 0 : i32
    %dma_wait3A_132 = tpu.memref_slice %arg3[%dma_wait3A_131] : memref<640000xi32, #tpu.memory_space<hbm>> -> memref<128xi32, #tpu.memory_space<hbm>>
    tpu.wait_dma2 semaphore(%arg21 : memref<!tpu.dma_semaphore, #tpu.memory_space<semaphore_mem>>) src(%dma_wait3A_132 : memref<128xi32, #tpu.memory_space<hbm>>) dst(%arg9 : memref<128xi32, #tpu.memory_space<vmem>>)
    %dma_wait3A_133 = arith.constant 0 : i32
    %dma_wait3A_134 = arith.constant 0 : i32
    %dma_wait3A_135 = tpu.memref_slice %arg2[%dma_wait3A_133, %dma_wait3A_134] : memref<10016x128xf32, #tpu.memory_space<hbm>> -> memref<10016x128xf32, #tpu.memory_space<hbm>>
    tpu.wait_indirect_dma semaphore(%arg23 : memref<!tpu.dma_semaphore, #tpu.memory_space<semaphore_mem>>) src(%dma_wait3A_135 : memref<10016x128xf32, #tpu.memory_space<hbm>>) dst(%arg13 : memref<16x128xf32, #tpu.memory_space<vmem>>)
    return
  }
}

</mosaic_0001>

<sc_bundles>
// kernel: _run.3.cloned.1.call-start
scs
__scs_entry_jumppad:
0x0: {  	(pc) =	sbr.rel $0x88, $3  }
0x1: {  	(tag) =	ssettag $0x0;
	lr =	simm.s32 $0x1  }
0x2: {  	[smem:$0x3F9D] =	sst lr;
	_ =	strace $0xD0000000  }
0x3: {  	_ = 	snop  }
0x4: {  	_ = 	snop  }
0x5: {  	_ = 	snop  }
0x6: {  	_ = 	snop  }
0x7: {  	_ = 	snop  }
__scs_overlays_trampoline_lowered:
0x8: {  	[smem:$0x3FAC] =	sst s0  }
0x9: {  	[smem:$0x3FAD] =	sst s1  }
0xa: {  	[smem:$0x3FAE] =	sst s2  }
0xb: {  	[smem:$0x3FAF] =	sst s3  }
0xc: {  	[smem:$0x3FB0] =	sst s4  }
0xd: {  	[smem:$0x3FB1] =	sst s5  }
0xe: {  	[smem:$0x3FB2] =	sst s6  }
0xf: {  	[smem:$0x3FB3] =	sst s7  }
0x10: {  	[smem:$0x3FB4] =	sst s8  }
0x11: {  	[smem:$0x3FB5] =	sst s9;
	s0 =	simm.s32 @!p0 $0x0  }
0x12: {  	s1 =	sld [smem:$0x3F9B];
	s0 =	simm.s32 @p0 $0x1  }
0x13: {  	[smem:$0x3FB6] =	sst s0;
	s0 =	simm.s32 @!p1 $0x0  }
0x14: {  	s2 =	sld [smem:$0x3F9A];
	s0 =	simm.s32 @p1 $0x1  }
0x15: {  	[smem:$0x3FB7] =	sst s0;
	s0 =	simm.s32 @!p2 $0x0  }
0x16: {  	s3 =	sld [smem:$0x3FDB];
	s0 =	simm.s32 @p2 $0x1  }
0x17: {  	s4 =	simm.s32 $0x1BF5;
	[smem:$0x3FB9] =	sst s0  }
0x18: {  	s0 =	sld [smem:$0x3F9C];
	_ =	swait.ge [sflag:s4], $0x0  }
0x19: {  	s7 =	sld [smem:$0x3F9D]  }
0x1a: {  	s8 =	sadd.s32 $0xFFFFE003, lr  }
0x1b: {  	s9 =	sadd.s32 $0xFFFFFEF7, lr;
	s5 =	simm.s32 $0xFFFFFFFF;
	p2 =	slt.u32 s8, $0xFFFFF086  }
0x1c: {  	p1 =	slt.u32 s9, $0xF7A;
	s5 =	simm.s32 @!p2 $0x0  }
0x1d: {  	s5 =	simm.s32 @p1 $0x1;
	p0 =	seq.s32 s7, s2  }
0x1e: {  	s7 =	smul.u32 @!p0 $0xF7A, s2;
	p2 =	seq.s32 @!p0 s5, $0x0  }
0x1f: {  	s9 =	smul.u32 $0xF7A, s1;
	s8 =	simm.s32 @!p0 $0x1BF5;
	p2 =	por !p2, p0  }
0x20: {  	[sflag:s8] =	ssyncset.s32 @!p0 $0xFFFFF086;
	s6 =	sadd.s32 @!p0 s3, s7;
	s7 =	simm.s32 @!p0 $0x108  }
0x21: {  	s3 =	sadd.s32 s3, s9;
	s6 =	sadd.s32 @!p0 $0x88, s6;
	s7 =	simm.s32 @p2 $0x1082  }
0x22: {  	[simem:s7], [sflag:s8] =	dma.local @!p0 [hbm:s6], $0xF7A  }
0x23: {  	s9 =	sor.u32 $0xD0000000, s2;
	s6 =	simm.s32 $0x108;
	_ =	swait.ge @!p0 [sflag:s8], $0x0  }
0x24: {  	s3 =	sadd.s32 $0x88, s3;
	s6 =	simm.s32 @!p1 $0x1082;
	[sflag:s4] =	ssyncset.s32 $0xFFFFF086  }
0x25: {  	[simem:s6], [sflag:s4] =	dma.local [hbm:s3], $0xF7A  }
0x26: {  	[smem:$0x3F9D] =	sst s1;
	(tag) =	ssettag s2;
	_ =	strace s9  }
0x27: {  	s1 =	sld [smem:$0x3FAD]  }
0x28: {  	s2 =	sld [smem:$0x3FAE]  }
0x29: {  	s4 =	sld [smem:$0x3FB0]  }
0x2a: {  	p0 =	seq.s32 s5, $0x0;
	s5 =	sld [smem:$0x3FB1]  }
0x2b: {  	s6 =	sld [smem:$0x3FB2]  }
0x2c: {  	s7 =	sld [smem:$0x3FB3]  }
0x2d: {  	s3 =	simm.s32 $0x108;
	s8 =	sld [smem:$0x3FB4]  }
0x2e: {  	s3 =	simm.s32 @!p0 $0x1082;
	s9 =	sld [smem:$0x3FB5]  }
0x2f: {  	lr =	sadd.s32 s0, s3;
	s0 =	sld [smem:$0x3FAC]  }
0x30: {  	s3 =	sld [smem:$0x3FAF]  }
0x31: {  	[smem:$0x3FB8] =	sst s10  }
0x32: {  	s10 =	sld [smem:$0x3FB6];
	_ =	sdelay $0x3  }
0x33: {  	p0 =	seq.s32 s10, $0x1;
	s10 =	sld [smem:$0x3FB8];
	_ =	sdelay $0x3  }
0x34: {  	[smem:$0x3FB8] =	sst s10  }
0x35: {  	s10 =	sld [smem:$0x3FB7];
	_ =	sdelay $0x3  }
0x36: {  	p1 =	seq.s32 s10, $0x1;
	s10 =	sld [smem:$0x3FB8];
	_ =	sdelay $0x3  }
0x37: {  	[smem:$0x3FB8] =	sst s10  }
0x38: {  	s10 =	sld [smem:$0x3FB9]  }
0x39: {  	_ = 	snop;
	(pc) =	sbr.ind lr, $3  }
0x3a: {  	_ = 	snop  }
0x3b: {  	_ = 	snop  }
0x3c: {  	p2 =	seq.s32 s10, $0x1;
	s10 =	sld [smem:$0x3FB8]  }
0x3d: {  	_ =	shalt  }
0x3e: {  	_ =	shalt  }
0x3f: {  	_ =	shalt  }
0x40: {  	_ =	shalt  }
0x41: {  	_ =	shalt  }
0x42: {  	_ =	shalt  }
0x43: {  	_ =	shalt  }
0x44: {  	_ =	shalt  }
0x45: {  	_ =	shalt  }
0x46: {  	_ =	shalt  }
0x47: {  	_ =	shalt  }
0x48: {  	_ =	shalt  }
0x49: {  	_ =	shalt  }
0x4a: {  	_ =	shalt  }
0x4b: {  	_ =	shalt  }
0x4c: {  	_ =	shalt  }
0x4d: {  	_ =	shalt  }
0x4e: {  	_ =	shalt  }
0x4f: {  	_ =	shalt  }
0x50: {  	_ =	shalt  }
0x51: {  	_ =	shalt  }
0x52: {  	_ =	shalt  }
0x53: {  	_ =	shalt  }
0x54: {  	_ =	shalt  }
0x55: {  	_ =	shalt  }
0x56: {  	_ =	shalt  }
0x57: {  	_ =	shalt  }
0x58: {  	_ =	shalt  }
0x59: {  	_ =	shalt  }
0x5a: {  	_ =	shalt  }
0x5b: {  	_ =	shalt  }
0x5c: {  	_ =	shalt  }
0x5d: {  	_ =	shalt  }
0x5e: {  	_ =	shalt  }
0x5f: {  	_ =	shalt  }
0x60: {  	_ =	shalt  }
0x61: {  	_ =	shalt  }
0x62: {  	_ =	shalt  }
0x63: {  	_ =	shalt  }
0x64: {  	_ =	shalt  }
0x65: {  	_ =	shalt  }
0x66: {  	_ =	shalt  }
0x67: {  	_ =	shalt  }
0x68: {  	_ =	shalt  }
0x69: {  	_ =	shalt  }
0x6a: {  	_ =	shalt  }
0x6b: {  	_ =	shalt  }
0x6c: {  	_ =	shalt  }
0x6d: {  	_ =	shalt  }
0x6e: {  	_ =	shalt  }
0x6f: {  	_ =	shalt  }
0x70: {  	_ =	shalt  }
0x71: {  	_ =	shalt  }
0x72: {  	_ =	shalt  }
0x73: {  	_ =	shalt  }
0x74: {  	_ =	shalt  }
0x75: {  	_ =	shalt  }
0x76: {  	_ =	shalt  }
0x77: {  	_ =	shalt  }
0x78: {  	_ =	shalt  }
0x79: {  	_ =	shalt  }
0x7a: {  	_ =	shalt  }
0x7b: {  	_ =	shalt  }
0x7c: {  	_ =	shalt  }
0x7d: {  	_ =	shalt  }
0x7e: {  	_ =	shalt  }
0x7f: {  	_ =	shalt  }
0x80: {  	_ =	shalt  }
0x81: {  	_ =	shalt  }
0x82: {  	_ =	shalt  }
0x83: {  	_ =	shalt  }
0x84: {  	_ =	shalt  }
0x85: {  	_ =	shalt  }
0x86: {  	_ =	shalt  }
0x87: {  	_ =	shalt  }
.Lfunc_end0:
.L_simem_size_0:
called_computation_lowered:
.L_overlay_start_0:
0x88: {  	s2 =	sld [smem:$0x3FD9]  }
0x89: {  	s3 =	sld [smem:$0x3FFE];
	_ =	sdelay $0x1  }
0x8a: {  	s1 =	srdreg.scid  }
0x8b: {  	s0 =	sand.u32 $0x1, s1  }
0x8c: {  	s17 =	sshll.u32 s0, $0xA;
	s2 =	sadd.s32 s3, s2  }
0x8d: {  	s2 =	sadd.s32 s2, s17  }
0x8e: {  	[smem:$0x3FC4] =	sst s2  }
0x8f: {  	_ = 	snop  }
0x90: {  	s2 =	sld [smem:$0x3FC9]  }
0x91: {  	s18 =	sld [smem:$0x3FC8]  }
0x92: {  	s4 =	sld [smem:$0x3FC7]  }
0x93: {  	s5 =	sld [smem:$0x3FC6];
	(tm) =	ssettm $0x1  }
0x94: {  	s6 =	sld [smem:$0x3FFB];
	_ =	sdelay $0x3  }
0x95: {  	_ =	strace s6  }
0x96: {  	s6 =	sld [smem:$0x3FFC];
	_ =	sdelay $0x3  }
0x97: {  	_ =	strace s6  }
0x98: {  	s6 =	sld [smem:$0x3FFD];
	_ =	sdelay $0x3  }
0x99: {  	_ =	strace s6  }
0x9a: {  	_ =	strace $0x8FFFFFFF  }
0x9b: {  	s19 =	sld [smem:$0x3FDB];
	_ =	sdelay $0x1  }
0x9c: {  	s7 =	simm.s32 $_scs_section_size  }
0x9d: {  	s8 =	simm.s32 $_size__tile_overlayer_lowered;
	s9 =	simm.s32 $_tile_overlayer_lowered  }
0x9e: {  	s22 =	simm.s32 $0x1BFF;
	s21 =	sshll.u32 s9, $0x1;
	s6 =	sadd.s32 s7, s19  }
0x9f: {  	s10 =	simm.s32 $0x0;
	s20 =	sshll.u32 s8, $0x1;
	s8 =	sadd.s32 s21, s6  }
0xa0: {  	[timem:s10], [sflag:s22] =	dma.local [hbm:s8], s20  }
0xa1: {  	_ =	swait.ge [sflag:s22], s20  }
0xa2: {  	s7 =	ssub.s32 $0x0, s20;
	[sflag:s22] =	ssyncset.done $0x0  }
0xa3: {  	[sflag:s22] =	ssyncadd.s32 s7;
	_ =	sdelay $0x1  }
0xa4: {  	s23 =	simm.s32 $0x1B8B  }
0xa5: {  	_ =	swait.ge [sflag:s23], $0x1  }
0xa6: {  	[sflag:s23] =	ssyncset.done $0x0  }
0xa7: {  	s25 =	simm.s32 $0x1B8E;
	s24 =	sld [smem:$0x3FFE];
	[sflag:s23] =	ssyncadd.s32 $0xFFFFFFFF  }
0xa8: {  	s26 =	simm.s32 $execute0_lowered;
	[smem:$0x3FD2] =	sst s25  }
0xa9: {  	s8 =	sshll.u32 s26, $0x1;
	_ =	strace $0x80000046;
	[dreg:$0x1] =	wrdreg $0xFFFFFFFF  }
0xaa: {  	s28 =	simm.s32 $_size_execute0_lowered;
	s6 =	sadd.s32 s6, s8;
	[dreg:$0x0] =	wrdreg $0x0  }
0xab: {  	s8 =	sshll.u32 s28, $0x1;
	[dreg:$0x2] =	wrdreg s6  }
0xac: {  	[dreg:$0x3] =	wrdreg s8  }
0xad: {  	[dreg:$0x4] =	wrdreg $0xC0  }
0xae: {  	_ =	task [dreg:s10], $0x5FFFF  }
0xaf: {  	[dreg:$0x1] =	wrdreg $0xFFFFFFFF  }
0xb0: {  	[dreg:$0x0] =	wrdreg $0x60  }
0xb1: {  	[dreg:$0x2] =	wrdreg s2  }
0xb2: {  	[dreg:$0x3] =	wrdreg s18  }
0xb3: {  	[dreg:$0x4] =	wrdreg s4  }
0xb4: {  	[dreg:$0x5] =	wrdreg s5  }
0xb5: {  	[dreg:$0x6] =	wrdreg s24  }
0xb6: {  	[dreg:$0x7] =	wrdreg $0x9  }
0xb7: {  	_ =	task.clear_ibuf [dreg:s10], $0x8FFFF;
	_ =	strace $0x90000046  }
0xb8: {  	s29 =	simm.s32 $0x9;
	_ =	strace $0x80000048  }
0xb9: {  	_ =	swait.ge [sflag:s29], $0x1  }
0xba: {  	[sflag:s29] =	ssyncadd.s32 $0xFFFFFFFF  }
0xbb: {  	_ =	strace $0x90000048  }
0xbc: {  	_ =	sfence  }
0xbd: {  	s30 =	sld [smem:$0x0];
	_ =	sdelay $0x2  }
0xbe: {  	s31 =	sshll.u32 s1, $0xD;
	s1 =	sshrl.u32 s1, $0x2  }
0xbf: {  	s3 =	sand.u32 $0x4000, s31;
	s1 =	sadd.s32 s1, s30  }
0xc0: {  	s0 =	sor.u32 s3, s0;
	s1 =	sshll.u32 s1, $0x11  }
0xc1: {  	s0 =	sor.u32 s1, s0  }
0xc2: {  	s0 =	sadd.s32 $0x8F2B, s0  }
0xc3: {  	[sflag:s0] =	ssyncadd.remote.s32 $0x1  }
0xc4: {  	_ =	sfence.sel $0xFFFF  }
0xc5: {  	[dreg:$0x0] =	wrdreg $0xFFFFFFFF;
	(pc) =	sbr.abs _section_cstart, $3  }
0xc6: {  	[dreg:$0x1] =	wrdreg $0xFFFFFFFF  }
0xc7: {  	_ =	task.clear_ibuf [dreg:s10], $0x2FFFF;
	_ =	strace $0x9FFFFFFF  }
0xc8: {  	(tm) =	ssettm $0x7FFFFFFF  }
0xc9: {  	_ =	shalt  }
tec
execute0_lowered:
.L_overlay_start_1:
0x0: {  	(tag) =	ssettag $0x1  }
0x1: {  	s1 =	rddreg [dreg:$0x0]  }
0x2: {  	s2 =	rddreg [dreg:$0x1]  }
0x3: {  	s0 =	rddreg [dreg:$0x4];
	s3 =	srdreg.scid  }
0x4: {  	s4 =	stileid.u32;
	s6 =	simm.s32 $0x0;
	s16 =	simm.s32 $0x2780  }
0x5: {  	s17 =	simm.s32 $0x10;
	s19 =	simm.s32 $0x2980;
	s20 =	simm.s32 $0x2800  }
0x6: {  	s28 =	simm.s32 $0xF980;
	s29 =	simm.s32 $0x5;
	s30 =	simm.s32 $0x8  }
0x7: {  	s31 =	simm.s32 $0x2;
	s15 =	simm.s32 $0x6;
	s10 =	simm.s32 $0x7  }
0x8: {  	s3 =	sand.u32 $0x1, s3;
	s4 =	sshll.u32 s4, $0x1;
	[smem:$0x7FF] =	sst s6  }
0x9: {  	s8 =	sadd.s32 $0x400, s0;
	s5 =	ssub.s32 $0x2, s3;
	s7 =	sor.u32 s3, s4  }
0xa: {  	_ =	strace $0x80000047;
	s21 =	sshrl.u32 s5, $0x1;
	s4 =	ssub.s32 $0x13A7, s7  }
0xb: {  	s24 =	sshll.u32 s7, $0x4;
	s25 =	sor.u32 $0x20, s7;
	s11 =	sshll.u32 s7, $0x1  }
0xc: {  	s22 =	ssub.s32 s5, s21;
	s23 =	sshrl.u32 s4, $0x5;
	s3 =	sadd.s32 s2, s24  }
0xd: {  	s26 =	sshll.u32 s25, $0x4;
	s4 =	sshll.u32 s25, $0x1;
	s24 =	simm.s32 $0x3  }
0xe: {  	s25 =	simm.s32 $0x80;
	s5 =	simm.s32 $0x0;
	s9 =	sadd.s32 $0xFFFFFFFF, s23  }
0xf: {  	[dreg:$0x6] =	wrdreg s3;
	s3 =	sadd.s32 s2, s26;
	s0 =	smax.u32 s22, $0x1  }
0x10: {  	s22 =	simm.s32 $0x3180;
	s23 =	simm.s32 $0x1;
	[dreg:$0x7] =	wrdreg s3  }
0x11: {  	v2 =	vimm.s32 $0x0;
	v1 =	vmov s11;
	v0 =	vmov s4;
	[dreg:$0x8] =	wrdreg s0;
	s0 =	simm.s32 $0x4;
	s3 =	simm.s32 $0x13980  }
.LBB2_1:
0x12: {  	[dreg:$0x9] =	wrdreg s5  }
0x13: {  	s4 =	rddreg [dreg:$0x2];
	s21 =	simm.s32 $0x9  }
0x14: {  	[tilespmem:s6], [sflag:$0x9] =	stream.linear.gather [hbm4b:s4+s6], $0x2780, $0x38;
	[tilespmem:$0x13E00] =	vst v63  }
0x15: {  	_ =	swait.ge [sflag:s21], $0x2780  }
0x16: {  	[sflag:s21] =	ssyncset.done $0x0  }
0x17: {  	[sflag:s21] =	ssyncadd.s32 $0xFFFFD880  }
0x18: {  	s12 =	simm.s32 $0x13A00;
	s26 =	rddreg [dreg:$0x3]  }
0x19: {  	[tilespmem:s12], [sflag:$0x9] =	stream.linear.gather [hbm4b:s26+s6], $0x400, $0x38;
	[tilespmem:$0x13E00] =	vst v63  }
0x1a: {  	_ =	swait.ge [sflag:s21], $0x400  }
0x1b: {  	[sflag:s21] =	ssyncset.done $0x0  }
0x1c: {  	[sflag:s21] =	ssyncadd.s32 $0xFFFFFC00  }
0x1d: {  	v3 =	vld [tilespmem:$0x13C00];
	_ =	sdelay $0x1  }
0x1e: {  	v5 =	vld [tilespmem:$0x13A00]  }
0x1f: {  	v6 =	vld [tilespmem:$0x13A80]  }
0x20: {  	s13 =	rddreg [dreg:$0x6];
	v7 =	vld [tilespmem:$0x13B00]  }
0x21: {  	v4 =	vld [tilespmem:$0x13B80];
	[tilespmem:s16], [sflag:$0x1] =	stream.linear.gather [hbm4b:s13+s6], $0x80, $0x38;
	v8 =	vadd.s32 v1, v3  }
0x22: {  	s14 =	simm.s32 $0x2880;
	[tilespmem:$0x2880] =	vst v8  }
0x23: {  	[tilespmem:s19], [sflag:$0x3] =	stream.indirect.gather [hbm4b:s1+s17], $0x80, s14, s17, $0xb8;
	[tilespmem:$0x13E00] =	vst v63  }
0x24: {  	s18 =	rddreg [dreg:$0x7]  }
0x25: {  	v8 =	vadd.s32 v0, v3;
	[tilespmem:s20], [sflag:$0x2] =	stream.linear.gather [hbm4b:s18+s6], $0x80, $0x38;
	[tilespmem:$0x13E00] =	vst v63  }
0x26: {  	s21 =	simm.s32 $0x2900;
	[tilespmem:$0x2900] =	vst v8  }
0x27: {  	[tilespmem:s22], [sflag:$0x4] =	stream.indirect.gather [hbm4b:s1+s17], $0x80, s21, s17, $0xb8;
	[tilespmem:$0x13E00] =	vst v63  }
0x28: {  	_ =	swait.ge [sflag:s23], $0x80  }
0x29: {  	[sflag:s23] =	ssyncset.done $0x0  }
0x2a: {  	v9 =	vshll.u32 v4, $0x7;
	v10 =	vand.u32 $0x7F, v5;
	[sflag:s23] =	ssyncadd.s32 $0xFFFFFF80  }
0x2b: {  	v11 =	vand.u32 $0xFFFFFF80, v6;
	v12 =	vand.u32 $0x7F, v6;
	v13 =	vand.u32 $0xFFFFFF80, v7;
	_ =	swait.ge [sflag:s24], $0x800  }
0x2c: {  	v14 =	vand.u32 $0x7F, v7;
	v6 =	vadd.s32 v11, v9;
	v8 =	vand.u32 $0xFFFFFF80, v5;
	[sflag:s24] =	ssyncset.done $0x0  }
0x2d: {  	s26 =	simm.s32 $0x3980;
	v7 =	vadd.s32 v13, v9;
	v6 =	vor.u32 v12, v6;
	v5 =	vadd.s32 v8, v9;
	[sflag:s24] =	ssyncadd.s32 $0xFFFFF800  }
0x2e: {  	v7 =	vor.u32 v14, v7;
	v9 =	vadd.s32 $0x80, v9;
	v5 =	vor.u32 v10, v5;
	[tilespmem:s26], [sflag:$0x5] =	stream.indirect.gather [hbm4b:s1+s25], $0x80, s16, s25, $0xb8;
	[tilespmem:$0x13E00] =	vst v63  }
0x2f: {  	s13 =	simm.s32 $0x0;
	v8 =	vadd.s32 v8, v9;
	v11 =	vadd.s32 v11, v9;
	v13 =	vadd.s32 v13, v9  }
0x30: {  	v8 =	vor.u32 v10, v8;
	v9 =	vor.u32 v12, v11;
	v10 =	vor.u32 v14, v13;
	[tilespmem:s28], [sflag:$0x8] =	stream.linear.gather [hbm4b:s8+s6], $0x4000, $0x38;
	[tilespmem:$0x13E00] =	vst v63  }
.LBB2_2:
0x31: {  	_ =	swait.ge [sflag:s29], $0x4000  }
0x32: {  	[sflag:s29] =	ssyncset.done $0x0  }
0x33: {  	[sflag:s29] =	ssyncadd.s32 $0xFFFFC000  }
0x34: {  	_ =	swait.ge [sflag:s30], $0x4000  }
0x35: {  	[sflag:s30] =	ssyncset.done $0x0  }
0x36: {  	[sflag:s30] =	ssyncadd.s32 $0xFFFFC000  }
0x37: {  	_ =	swait.ge [sflag:s31], $0x80  }
0x38: {  	[sflag:s31] =	ssyncset.done $0x0  }
0x39: {  	[sflag:s31] =	ssyncadd.s32 $0xFFFFFF80  }
0x3a: {  	_ =	swait.ge [sflag:s0], $0x800  }
0x3b: {  	s14 =	sshll.u32 s13, $0x1;
	[sflag:s0] =	ssyncset.done $0x0  }
0x3c: {  	s4 =	simm.s32 $0x7980;
	s21 =	smin.u32 s14, s9;
	[sflag:s0] =	ssyncadd.s32 $0xFFFFF800  }
0x3d: {  	[tilespmem:s4], [sflag:$0x6] =	stream.indirect.gather [hbm4b:s1+s25], $0x80, s20, s25, $0xb8;
	[tilespmem:$0x13E00] =	vst v63  }
0x3e: {  	s4 =	sshll.u32 s21, $0x6  }
0x3f: {  	s12 =	sor.u32 s11, s4;
	v11 =	vld [tilespmem:$0x2780]  }
0x40: {  	v12 =	vadd.s32 s12, v4;
	_ =	sdelay $0x3  }
0x41: {  	s26 =	simm.s32 $0x0  }
0x42: {  	v12 =	vld.idx.msk [tilespmem:v12+s26+$0x0], $0xffff;
	_ =	sdelay $0x1  }
0x43: {  	v11 =	vld.idx.msk [tilespmem:v11+s26+$0x0], $0xffff;
	_ =	sdelay $0x1  }
0x44: {  	v14 =	vld [tilespmem:$0x2790]  }
0x45: {  	vm0 =	vgt.s32 v12, $0x0  }
0x46: {  	v12 =	vsel vm0, $0x3F800000, v2  }
0x47: {  	v15 =	vmul.f32 $1.000000010e-01, v12;
	vm12 =	vgt.s32 v11, $0x0  }
0x48: {  	v11 =	vsel vm12, $0x3F800000, v2  }
0x49: {  	v13 =	vld.idx.msk [tilespmem:v5+s19+$0x0], $0xffff;
	v16 =	vmul.f32 v11, v15  }
0x4a: {  	v12 =	vld.idx.msk [tilespmem:v6+s19+$0x0], $0xffff  }
0x4b: {  	v11 =	vld.idx.msk [tilespmem:v7+s19+$0x0], $0xffff;
	[tilespmem:$0x13980] =	vst v16  }
0x4c: {  	v14 =	vld.idx.msk [tilespmem:v14+s26+$0x0], $0xffff;
	_ =	sdelay $0x1  }
0x4d: {  	v16 =	vld [tilespmem:$0x27A0];
	_ =	sdelay $0x2  }
0x4e: {  	vm13 =	vgt.s32 v14, $0x0  }
0x4f: {  	v14 =	vsel vm13, $0x3F800000, v2  }
0x50: {  	v14 =	vmul.f32 v14, v15;
	_ =	sdelay $0x1  }
0x51: {  	[tilespmem:$0x13990] =	vst v14  }
0x52: {  	v14 =	vld.idx.msk [tilespmem:v16+s26+$0x0], $0xffff;
	_ =	sdelay $0x1  }
0x53: {  	v16 =	vld [tilespmem:$0x27B0];
	_ =	sdelay $0x2  }
0x54: {  	vm14 =	vgt.s32 v14, $0x0  }
0x55: {  	v14 =	vsel vm14, $0x3F800000, v2  }
0x56: {  	v14 =	vmul.f32 v14, v15;
	_ =	sdelay $0x1  }
0x57: {  	[tilespmem:$0x139A0] =	vst v14  }
0x58: {  	v14 =	vld.idx.msk [tilespmem:v16+s26+$0x0], $0xffff;
	_ =	sdelay $0x4  }
0x59: {  	s5 =	simm.s32 $0x1;
	vm15 =	vgt.s32 v14, $0x0;
	v14 =	vadd.s32 s26, v4  }
0x5a: {  	v17 =	vadd.s32 s5, v4;
	s21 =	simm.s32 $0x3;
	v16 =	vsel vm15, $0x3F800000, v2  }
0x5b: {  	v21 =	vadd.s32 s21, v4;
	v15 =	vmul.f32 v16, v15;
	_ =	sdelay $0x1  }
0x5c: {  	s18 =	simm.s32 $0x2;
	[tilespmem:$0x139B0] =	vst v15  }
0x5d: {  	s26 =	simm.s32 $0x4;
	v16 =	vadd.s32 s18, v4;
	v20 =	vld.idx.msk [tilespmem:v14+s3+$0x0], $0xffff  }
0x5e: {  	s5 =	simm.s32 $0x5;
	v15 =	vadd.s32 s26, v4;
	v19 =	vld.idx.msk [tilespmem:v17+s3+$0x0], $0xffff  }
0x5f: {  	v14 =	vadd.s32 s5, v4;
	v17 =	vld.idx.msk [tilespmem:v21+s3+$0x0], $0xffff;
	s5 =	simm.s32 $0x3B80  }
0x60: {  	s18 =	simm.s32 $0x7;
	v21 =	vld [tilespmem:s5+$0xFFFFFE00]  }
0x61: {  	v22 =	vadd.s32 s18, v4;
	v23 =	vld [tilespmem:s5+$0xFFFFFF00]  }
0x62: {  	v18 =	vld.idx.msk [tilespmem:v16+s3+$0x0], $0xffff  }
0x63: {  	v16 =	vld.idx.msk [tilespmem:v15+s3+$0x0], $0xffff  }
0x64: {  	v15 =	vld [tilespmem:s5+$0x180]  }
0x65: {  	v26 =	vld [tilespmem:s5+$0xFFFFFF80]  }
0x66: {  	s18 =	simm.s32 $0x8;
	v24 =	vld.idx.msk [tilespmem:v22+s3+$0x0], $0xffff  }
0x67: {  	s21 =	simm.s32 $0x6;
	v27 =	vadd.s32 s18, v4;
	v22 =	vld [tilespmem:s5+$0xFFFFFE80]  }
0x68: {  	v25 =	vadd.s32 s21, v4;
	v28 =	vld [tilespmem:s5+$0x0]  }
0x69: {  	v29 =	vld [tilespmem:s5+$0x80];
	v15 =	vsub.f32 v15, v13  }
0x6a: {  	v31 =	vld [tilespmem:s5+$0x100];
	v21 =	vsub.f32 v21, v13  }
0x6b: {  	v14 =	vld.idx.msk [tilespmem:v14+s3+$0x0], $0xffff;
	v23 =	vsub.f32 v23, v13;
	v30 =	vmul.f32 v15, v24  }
0x6c: {  	s4 =	simm.s32 $0xBB80;
	v22 =	vsub.f32 v22, v13;
	v32 =	vmul.f32 v21, v20;
	v21 =	vld.idx.msk [tilespmem:v27+s3+$0x0], $0xffff  }
0x6d: {  	v23 =	vmul.f32 v23, v18;
	v27 =	vsub.f32 v28, v13;
	v15 =	vld.idx.msk [tilespmem:v25+s3+$0x0], $0xffff;
	[tilespmem:s4+$0x180] =	vst v30  }
0x6e: {  	v22 =	vmul.f32 v22, v19;
	[tilespmem:s4+$0xFFFFFE00] =	vst v32;
	v25 =	vsub.f32 v26, v13;
	v26 =	vld [tilespmem:s5+$0x190]  }
0x6f: {  	[tilespmem:s4+$0xFFFFFF00] =	vst v23;
	v23 =	vmul.f32 v27, v16  }
0x70: {  	s21 =	simm.s32 $0x9;
	v28 =	vld [tilespmem:s5+$0xFFFFFE10];
	[tilespmem:s4+$0xFFFFFE80] =	vst v22;
	v22 =	vmul.f32 v25, v17;
	v25 =	vsub.f32 v29, v13  }
0x71: {  	v27 =	vsub.f32 v31, v13;
	v31 =	vld [tilespmem:s5+$0xFFFFFF10];
	[tilespmem:s4+$0x0] =	vst v23;
	v30 =	vadd.s32 s21, v4  }
0x72: {  	v29 =	vld [tilespmem:s5+$0xFFFFFE90];
	[tilespmem:s4+$0xFFFFFF80] =	vst v22;
	v22 =	vmul.f32 v25, v14  }
0x73: {  	v63 =	vld [tilespmem:s5+$0x10];
	v23 =	vmul.f32 v27, v15;
	v26 =	vsub.f32 v26, v12  }
0x74: {  	s26 =	simm.s32 $0xA;
	v25 =	vld [tilespmem:s5+$0xFFFFFF90];
	[tilespmem:s4+$0x80] =	vst v22  }
0x75: {  	v27 =	vadd.s32 s26, v4;
	v33 =	vld [tilespmem:s5+$0x90];
	[tilespmem:s4+$0x100] =	vst v23;
	v23 =	vmul.f32 v26, v24  }
0x76: {  	v28 =	vsub.f32 v28, v12;
	v22 =	vld.idx.msk [tilespmem:v30+s3+$0x0], $0xffff  }
0x77: {  	v26 =	vsub.f32 v29, v12;
	v29 =	vld [tilespmem:s5+$0x110];
	[tilespmem:s4+$0x190] =	vst v23  }
0x78: {  	v28 =	vmul.f32 v28, v20;
	v30 =	vsub.f32 v31, v12;
	v31 =	vld [tilespmem:s5+$0x1A0]  }
0x79: {  	v25 =	vsub.f32 v25, v12;
	v26 =	vmul.f32 v26, v19  }
0x7a: {  	[tilespmem:s4+$0xFFFFFE10] =	vst v28;
	v23 =	vld.idx.msk [tilespmem:v27+s3+$0x0], $0xffff;
	v27 =	vmul.f32 v30, v18;
	v30 =	vsub.f32 v63, v12  }
0x7b: {  	v34 =	vld [tilespmem:s5+$0xFFFFFE20];
	v25 =	vmul.f32 v25, v17;
	[tilespmem:s4+$0xFFFFFE90] =	vst v26;
	v26 =	vsub.f32 v33, v12  }
0x7c: {  	s21 =	simm.s32 $0xB;
	[tilespmem:s4+$0xFFFFFF10] =	vst v27;
	v27 =	vmul.f32 v30, v16;
	v28 =	vld [tilespmem:s5+$0xFFFFFEA0];
	v30 =	vsub.f32 v29, v12  }
0x7d: {  	s26 =	simm.s32 $0xC;
	[tilespmem:s4+$0xFFFFFF90] =	vst v25;
	v29 =	vld [tilespmem:s5+$0xFFFFFF20];
	v25 =	vmul.f32 v26, v14;
	v36 =	vsub.f32 v31, v11;
	v31 =	vadd.s32 s21, v4  }
0x7e: {  	v32 =	vadd.s32 s26, v4;
	s26 =	simm.s32 $0xD;
	v26 =	vld [tilespmem:s5+$0xFFFFFFA0];
	[tilespmem:s4+$0x10] =	vst v27;
	v35 =	vmul.f32 v30, v15  }
0x7f: {  	v27 =	vld [tilespmem:s5+$0x20];
	v30 =	vadd.s32 s26, v4;
	[tilespmem:s4+$0x90] =	vst v25  }
0x80: {  	v33 =	vsub.f32 v34, v11;
	s26 =	simm.s32 $0xF;
	s21 =	simm.s32 $0x10;
	v25 =	vld [tilespmem:s5+$0xA0];
	[tilespmem:s4+$0x110] =	vst v35;
	v24 =	vmul.f32 v36, v24  }
.LBB2_3:
0x81: {  	p0 =	slt.u32 s21, $0x38;
	v34 =	vadd.s32 s26, v4;
	v28 =	vsub.f32 v28, v11;
	v35 =	vld [tilespmem:s5+$0x120]  }
0x82: {  	v31 =	vld.idx.msk [tilespmem:v31+s3+$0x0], $0xffff;
	v33 =	vmul.f32 v33, v20;
	v29 =	vsub.f32 v29, v11;
	[tilespmem:s4+$0x1A0] =	vst v24;
	v20 =	vmov v21  }
0x83: {  	v21 =	vld.idx.msk [tilespmem:v32+s3+$0x0], $0xffff;
	v24 =	vmul.f32 v28, v19;
	v26 =	vsub.f32 v26, v11;
	v19 =	vmov v22  }
0x84: {  	s5 =	sadd.s32 $0x400, s5;
	v22 =	vld.idx.msk [tilespmem:v30+s3+$0x0], $0xffff;
	[tilespmem:s4+$0xFFFFFE20] =	vst v33;
	v28 =	vmul.f32 v29, v18;
	v27 =	vsub.f32 v27, v11;
	v18 =	vmov v23  }
0x85: {  	v23 =	vld [tilespmem:s5+$0x180];
	[tilespmem:s4+$0xFFFFFEA0] =	vst v24;
	v29 =	vmul.f32 v26, v17;
	v25 =	vsub.f32 v25, v11  }
0x86: {  	v24 =	vld.idx.msk [tilespmem:v34+s3+$0x0], $0xffff;
	[tilespmem:s4+$0xFFFFFF20] =	vst v28;
	v30 =	vmul.f32 v27, v16;
	v26 =	vsub.f32 v35, v11  }
0x87: {  	v27 =	vld [tilespmem:s5+$0xFFFFFE00];
	[tilespmem:s4+$0xFFFFFFA0] =	vst v29;
	v29 =	vmul.f32 v25, v14  }
0x88: {  	s26 =	sadd.s32 $0x6, s18;
	s18 =	smov.u32 s21;
	v17 =	vmov v31;
	v25 =	vld [tilespmem:s5+$0xFFFFFE80];
	[tilespmem:s4+$0x20] =	vst v30;
	v15 =	vmul.f32 v26, v15  }
0x89: {  	v28 =	vadd.s32 s26, v4;
	v16 =	vmov v21;
	v26 =	vld [tilespmem:s5+$0xFFFFFF00];
	[tilespmem:s4+$0xA0] =	vst v29  }
0x8a: {  	v14 =	vmov v22;
	v21 =	vld [tilespmem:s5+$0xFFFFFF80];
	v23 =	vsub.f32 v23, v13;
	[tilespmem:s4+$0x120] =	vst v15  }
0x8b: {  	v22 =	vadd.s32 s21, v4;
	v29 =	vld [tilespmem:s5+$0x0]  }
0x8c: {  	v15 =	vsub.f32 v27, v13;
	v27 =	vld [tilespmem:s5+$0x80];
	v23 =	vmul.f32 v23, v24  }
0x8d: {  	s4 =	sadd.s32 $0x400, s4;
	v25 =	vsub.f32 v25, v13;
	v30 =	vld [tilespmem:s5+$0x100]  }
0x8e: {  	v31 =	vmul.f32 v15, v20;
	v26 =	vsub.f32 v26, v13;
	v15 =	vld.idx.msk [tilespmem:v28+s3+$0x0], $0xffff;
	[tilespmem:s4+$0x180] =	vst v23  }
0x8f: {  	v23 =	vmul.f32 v25, v19;
	v25 =	vsub.f32 v21, v13;
	v28 =	vld [tilespmem:s5+$0x190]  }
0x90: {  	v21 =	vld.idx.msk [tilespmem:v22+s3+$0x0], $0xffff;
	[tilespmem:s4+$0xFFFFFE00] =	vst v31;
	v22 =	vmul.f32 v26, v18;
	v26 =	vsub.f32 v29, v13  }
0x91: {  	v29 =	vld [tilespmem:s5+$0xFFFFFE10];
	[tilespmem:s4+$0xFFFFFE80] =	vst v23;
	v23 =	vmul.f32 v25, v17;
	v25 =	vsub.f32 v27, v13  }
0x92: {  	s26 =	sadd.s32 $0x1, s21;
	v27 =	vld [tilespmem:s5+$0xFFFFFE90];
	[tilespmem:s4+$0xFFFFFF00] =	vst v22;
	v22 =	vmul.f32 v26, v16;
	v26 =	vsub.f32 v30, v13  }
0x93: {  	v30 =	vadd.s32 s26, v4;
	v31 =	vld [tilespmem:s5+$0xFFFFFF10];
	[tilespmem:s4+$0xFFFFFF80] =	vst v23;
	v23 =	vmul.f32 v25, v14  }
0x94: {  	s26 =	sadd.s32 $0x2, s21;
	v25 =	vld [tilespmem:s5+$0xFFFFFF90];
	[tilespmem:s4+$0x0] =	vst v22;
	v22 =	vmul.f32 v26, v15;
	v26 =	vsub.f32 v28, v12  }
0x95: {  	v28 =	vadd.s32 s26, v4;
	v32 =	vld [tilespmem:s5+$0x10];
	[tilespmem:s4+$0x80] =	vst v23  }
0x96: {  	v23 =	vsub.f32 v29, v12;
	v29 =	vld [tilespmem:s5+$0x90];
	[tilespmem:s4+$0x100] =	vst v22;
	v26 =	vmul.f32 v26, v24  }
0x97: {  	v27 =	vsub.f32 v27, v12;
	v33 =	vld [tilespmem:s5+$0x110]  }
0x98: {  	v22 =	vld.idx.msk [tilespmem:v30+s3+$0x0], $0xffff;
	v30 =	vmul.f32 v23, v20;
	v31 =	vsub.f32 v31, v12;
	[tilespmem:s4+$0x190] =	vst v26  }
0x99: {  	v26 =	vmul.f32 v27, v19;
	v25 =	vsub.f32 v25, v12;
	v27 =	vld [tilespmem:s5+$0x1A0]  }
0x9a: {  	v23 =	vld.idx.msk [tilespmem:v28+s3+$0x0], $0xffff;
	[tilespmem:s4+$0xFFFFFE10] =	vst v30;
	v30 =	vmul.f32 v31, v18;
	v31 =	vsub.f32 v32, v12  }
0x9b: {  	v34 =	vld [tilespmem:s5+$0xFFFFFE20];
	[tilespmem:s4+$0xFFFFFE90] =	vst v26;
	v25 =	vmul.f32 v25, v17;
	v26 =	vsub.f32 v29, v12  }
.Ltmp0:
0x9c: {  	s26 =	sadd.s32 $0x3, s21;
	v28 =	vld [tilespmem:s5+$0xFFFFFEA0];
	[tilespmem:s4+$0xFFFFFF10] =	vst v30;
	v30 =	vmul.f32 v31, v16;
	v33 =	vsub.f32 v33, v12;
	(pc) =	sbr.rel @p0 .LBB2_3-.Ltmp0, $4  }
0x9d: {  	v31 =	vadd.s32 s26, v4;
	s26 =	sadd.s32 $0x4, s21;
	v29 =	vld [tilespmem:s5+$0xFFFFFF20];
	[tilespmem:s4+$0xFFFFFF90] =	vst v25;
	v25 =	vmul.f32 v26, v14  }
0x9e: {  	v32 =	vadd.s32 s26, v4;
	s26 =	sadd.s32 $0x5, s21;
	v26 =	vld [tilespmem:s5+$0xFFFFFFA0];
	[tilespmem:s4+$0x10] =	vst v30;
	v35 =	vmul.f32 v33, v15;
	v36 =	vsub.f32 v27, v11  }
0x9f: {  	v30 =	vadd.s32 s26, v4;
	v27 =	vld [tilespmem:s5+$0x20];
	[tilespmem:s4+$0x90] =	vst v25  }
0xa0: {  	s21 =	sadd.s32 $0x8, s21;
	s26 =	sadd.s32 $0x7, s18;
	v33 =	vsub.f32 v34, v11;
	v25 =	vld [tilespmem:s5+$0xA0];
	[tilespmem:s4+$0x110] =	vst v35;
	v24 =	vmul.f32 v36, v24  }
0xa1: {  	_ =	sdelay $0x3  }
0xa2: {  	v34 =	vadd.s32 s26, v4;
	v31 =	vld.idx.msk [tilespmem:v31+s3+$0x0], $0xffff  }
0xa3: {  	v32 =	vld.idx.msk [tilespmem:v32+s3+$0x0], $0xffff;
	s21 =	sadd.s32 $0x400, s5  }
0xa4: {  	v35 =	vld [tilespmem:s21+$0x180]  }
0xa5: {  	v36 =	vld [tilespmem:s21+$0xFFFFFE00]  }
0xa6: {  	v37 =	vld [tilespmem:s21+$0xFFFFFE80]  }
0xa7: {  	v34 =	vld.idx.msk [tilespmem:v34+s3+$0x0], $0xffff  }
0xa8: {  	v28 =	vsub.f32 v28, v11;
	s18 =	sadd.s32 $0x6, s18;
	v38 =	vld [tilespmem:s21+$0xFFFFFF00]  }
0xa9: {  	v20 =	vmul.f32 v33, v20;
	v29 =	vsub.f32 v29, v11;
	v54 =	vadd.s32 s18, v4;
	v39 =	vld [tilespmem:s21+$0xFFFFFF80]  }
0xaa: {  	[tilespmem:s4+$0x1A0] =	vst v24;
	v19 =	vmul.f32 v28, v19;
	v28 =	vld [tilespmem:s21+$0x0];
	v24 =	vsub.f32 v35, v13  }
0xab: {  	[tilespmem:s4+$0xFFFFFE20] =	vst v20;
	v18 =	vmul.f32 v29, v18;
	v29 =	vld [tilespmem:s21+$0x80];
	v20 =	vsub.f32 v36, v13  }
0xac: {  	v55 =	vld [tilespmem:s21+$0x100];
	[tilespmem:s4+$0xFFFFFEA0] =	vst v19;
	v19 =	vmul.f32 v24, v34;
	v24 =	vsub.f32 v37, v13  }
0xad: {  	s26 =	sadd.s32 $0x400, s4;
	[tilespmem:s4+$0xFFFFFF20] =	vst v18;
	v18 =	vld.idx.msk [tilespmem:v30+s3+$0x0], $0xffff;
	v30 =	vsub.f32 v38, v13;
	v20 =	vmul.f32 v20, v21  }
0xae: {  	v56 =	vsub.f32 v39, v13;
	[tilespmem:s26+$0x180] =	vst v19;
	v19 =	vld.idx.msk [tilespmem:v54+s3+$0x0], $0xffff;
	v24 =	vmul.f32 v24, v22  }
0xaf: {  	v28 =	vsub.f32 v28, v13;
	v30 =	vmul.f32 v30, v23;
	[tilespmem:s26+$0xFFFFFE00] =	vst v20;
	v20 =	vld [tilespmem:s21+$0x190]  }
0xb0: {  	v33 =	vmul.f32 v56, v31;
	v29 =	vsub.f32 v29, v13;
	[tilespmem:s26+$0xFFFFFE80] =	vst v24;
	v24 =	vld [tilespmem:s21+$0xFFFFFE10]  }
0xb1: {  	v28 =	vmul.f32 v28, v32;
	[tilespmem:s26+$0xFFFFFF00] =	vst v30;
	v13 =	vsub.f32 v55, v13;
	v30 =	vld [tilespmem:s21+$0xFFFFFE90]  }
0xb2: {  	v26 =	vsub.f32 v26, v11;
	[tilespmem:s26+$0xFFFFFF80] =	vst v33;
	v29 =	vmul.f32 v29, v18;
	v57 =	vld [tilespmem:s21+$0xFFFFFF10]  }
0xb3: {  	v27 =	vsub.f32 v27, v11;
	v33 =	vld [tilespmem:s21+$0xFFFFFF90];
	[tilespmem:s26+$0x0] =	vst v28;
	v13 =	vmul.f32 v13, v19  }
0xb4: {  	v17 =	vmul.f32 v26, v17;
	v26 =	vld [tilespmem:s21+$0x10];
	[tilespmem:s26+$0x80] =	vst v29;
	v20 =	vsub.f32 v20, v12  }
0xb5: {  	v16 =	vmul.f32 v27, v16;
	v27 =	vld [tilespmem:s21+$0x90];
	v24 =	vsub.f32 v24, v12;
	[tilespmem:s26+$0x100] =	vst v13  }
0xb6: {  	[tilespmem:s4+$0xFFFFFFA0] =	vst v17;
	v13 =	vmul.f32 v20, v34;
	v17 =	vsub.f32 v30, v12;
	v20 =	vld [tilespmem:s21+$0x110]  }
0xb7: {  	[tilespmem:s4+$0x20] =	vst v16;
	v16 =	vmul.f32 v24, v21;
	v24 =	vsub.f32 v57, v12  }
0xb8: {  	v28 =	vld [tilespmem:s5+$0x120];
	[tilespmem:s26+$0x190] =	vst v13;
	v13 =	vmul.f32 v17, v22;
	v17 =	vsub.f32 v33, v12  }
0xb9: {  	v29 =	vld [tilespmem:s21+$0x1A0];
	[tilespmem:s26+$0xFFFFFE10] =	vst v16;
	v16 =	vmul.f32 v24, v23;
	v24 =	vsub.f32 v26, v12  }
0xba: {  	v26 =	vld [tilespmem:s21+$0xFFFFFE20];
	[tilespmem:s26+$0xFFFFFE90] =	vst v13;
	v13 =	vmul.f32 v17, v31;
	v17 =	vsub.f32 v27, v12  }
0xbb: {  	v27 =	vld [tilespmem:s21+$0xFFFFFEA0];
	[tilespmem:s26+$0xFFFFFF10] =	vst v16;
	v16 =	vmul.f32 v24, v32;
	v12 =	vsub.f32 v20, v12  }
0xbc: {  	v20 =	vsub.f32 v25, v11;
	v24 =	vld [tilespmem:s21+$0xFFFFFF20];
	[tilespmem:s26+$0xFFFFFF90] =	vst v13;
	v13 =	vmul.f32 v17, v18  }
0xbd: {  	v17 =	vsub.f32 v28, v11;
	v25 =	vld [tilespmem:s21+$0xFFFFFFA0];
	[tilespmem:s26+$0x10] =	vst v16;
	v12 =	vmul.f32 v12, v19  }
0xbe: {  	v14 =	vmul.f32 v20, v14;
	v16 =	vsub.f32 v29, v11;
	v20 =	vld [tilespmem:s21+$0x20];
	[tilespmem:s26+$0x90] =	vst v13  }
0xbf: {  	v13 =	vmul.f32 v17, v15;
	v15 =	vsub.f32 v26, v11;
	v17 =	vld [tilespmem:s21+$0xA0];
	[tilespmem:s26+$0x110] =	vst v12  }
0xc0: {  	[tilespmem:s4+$0xA0] =	vst v14;
	v12 =	vmul.f32 v16, v34;
	v14 =	vsub.f32 v27, v11;
	v16 =	vld [tilespmem:s21+$0x120]  }
0xc1: {  	[tilespmem:s4+$0x120] =	vst v13;
	v13 =	vmul.f32 v15, v21;
	v15 =	vsub.f32 v24, v11  }
0xc2: {  	[tilespmem:s26+$0x1A0] =	vst v12;
	v12 =	vmul.f32 v14, v22;
	v14 =	vsub.f32 v25, v11  }
0xc3: {  	[tilespmem:s26+$0xFFFFFE20] =	vst v13;
	v13 =	vmul.f32 v15, v23;
	v15 =	vsub.f32 v20, v11  }
0xc4: {  	[tilespmem:s26+$0xFFFFFEA0] =	vst v12;
	v12 =	vmul.f32 v14, v31;
	v14 =	vsub.f32 v17, v11  }
0xc5: {  	[tilespmem:s26+$0xFFFFFF20] =	vst v13;
	v13 =	vmul.f32 v15, v32;
	v11 =	vsub.f32 v16, v11  }
0xc6: {  	[tilespmem:s26+$0xFFFFFFA0] =	vst v12;
	v12 =	vmul.f32 v14, v18  }
0xc7: {  	[tilespmem:s26+$0x20] =	vst v13;
	v11 =	vmul.f32 v11, v19  }
0xc8: {  	[tilespmem:s26+$0xA0] =	vst v12  }
0xc9: {  	[tilespmem:s26+$0x120] =	vst v11  }
0xca: {  	s21 =	sor.u32 $0x1, s12;
	v11 =	vld [tilespmem:$0x27C0]  }
0xcb: {  	v12 =	vadd.s32 s21, v4;
	_ =	sdelay $0x3  }
0xcc: {  	s26 =	simm.s32 $0x0  }
0xcd: {  	v12 =	vld.idx.msk [tilespmem:v12+s26+$0x0], $0xffff;
	_ =	sdelay $0x1  }
0xce: {  	v11 =	vld.idx.msk [tilespmem:v11+s26+$0x0], $0xffff;
	_ =	sdelay $0x1  }
0xcf: {  	v14 =	vld [tilespmem:$0x27D0]  }
0xd0: {  	vm0 =	vgt.s32 v12, $0x0  }
0xd1: {  	v12 =	vsel vm0, $0x3F800000, v2  }
0xd2: {  	v15 =	vmul.f32 $1.000000010e-01, v12;
	vm12 =	vgt.s32 v11, $0x0  }
0xd3: {  	v11 =	vsel vm12, $0x3F800000, v2  }
0xd4: {  	v13 =	vld.idx.msk [tilespmem:v8+s19+$0x0], $0xffff;
	v16 =	vmul.f32 v11, v15  }
0xd5: {  	v12 =	vld.idx.msk [tilespmem:v9+s19+$0x0], $0xffff  }
0xd6: {  	v11 =	vld.idx.msk [tilespmem:v10+s19+$0x0], $0xffff;
	[tilespmem:$0x13980] =	vst v16  }
0xd7: {  	v14 =	vld.idx.msk [tilespmem:v14+s26+$0x0], $0xffff;
	_ =	sdelay $0x1  }
0xd8: {  	v16 =	vld [tilespmem:$0x27E0];
	_ =	sdelay $0x2  }
0xd9: {  	vm13 =	vgt.s32 v14, $0x0  }
0xda: {  	v14 =	vsel vm13, $0x3F800000, v2  }
0xdb: {  	v14 =	vmul.f32 v14, v15;
	_ =	sdelay $0x1  }
0xdc: {  	[tilespmem:$0x13990] =	vst v14  }
0xdd: {  	v14 =	vld.idx.msk [tilespmem:v16+s26+$0x0], $0xffff;
	_ =	sdelay $0x1  }
0xde: {  	v16 =	vld [tilespmem:$0x27F0];
	_ =	sdelay $0x2  }
0xdf: {  	vm14 =	vgt.s32 v14, $0x0  }
0xe0: {  	v14 =	vsel vm14, $0x3F800000, v2  }
0xe1: {  	v14 =	vmul.f32 v14, v15;
	_ =	sdelay $0x1  }
0xe2: {  	[tilespmem:$0x139A0] =	vst v14  }
0xe3: {  	v14 =	vld.idx.msk [tilespmem:v16+s26+$0x0], $0xffff;
	_ =	sdelay $0x4  }
0xe4: {  	s5 =	simm.s32 $0x1;
	vm15 =	vgt.s32 v14, $0x0;
	v14 =	vadd.s32 s26, v4  }
0xe5: {  	v17 =	vadd.s32 s5, v4;
	s21 =	simm.s32 $0x3;
	v16 =	vsel vm15, $0x3F800000, v2  }
0xe6: {  	v21 =	vadd.s32 s21, v4;
	v15 =	vmul.f32 v16, v15;
	_ =	sdelay $0x1  }
0xe7: {  	s18 =	simm.s32 $0x2;
	[tilespmem:$0x139B0] =	vst v15  }
0xe8: {  	s26 =	simm.s32 $0x4;
	v16 =	vadd.s32 s18, v4;
	v20 =	vld.idx.msk [tilespmem:v14+s3+$0x0], $0xffff  }
0xe9: {  	s5 =	simm.s32 $0x5;
	v15 =	vadd.s32 s26, v4;
	v19 =	vld.idx.msk [tilespmem:v17+s3+$0x0], $0xffff  }
0xea: {  	v14 =	vadd.s32 s5, v4;
	v17 =	vld.idx.msk [tilespmem:v21+s3+$0x0], $0xffff;
	s5 =	simm.s32 $0x5D20  }
0xeb: {  	s18 =	simm.s32 $0x7;
	v21 =	vld [tilespmem:s5+$0xFFFFFC60]  }
0xec: {  	v22 =	vadd.s32 s18, v4;
	v23 =	vld [tilespmem:s5+$0xFFFFFD60]  }
0xed: {  	v18 =	vld.idx.msk [tilespmem:v16+s3+$0x0], $0xffff  }
0xee: {  	v16 =	vld.idx.msk [tilespmem:v15+s3+$0x0], $0xffff  }
0xef: {  	v15 =	vld [tilespmem:s5+$0xFFFFFFE0]  }
0xf0: {  	v26 =	vld [tilespmem:s5+$0xFFFFFDE0]  }
0xf1: {  	s18 =	simm.s32 $0x8;
	v24 =	vld.idx.msk [tilespmem:v22+s3+$0x0], $0xffff  }
0xf2: {  	s21 =	simm.s32 $0x6;
	v27 =	vadd.s32 s18, v4;
	v22 =	vld [tilespmem:s5+$0xFFFFFCE0]  }
0xf3: {  	v25 =	vadd.s32 s21, v4;
	v28 =	vld [tilespmem:s5+$0xFFFFFE60]  }
0xf4: {  	v29 =	vld [tilespmem:s5+$0xFFFFFEE0];
	v15 =	vsub.f32 v15, v13  }
0xf5: {  	v31 =	vld [tilespmem:s5+$0xFFFFFF60];
	v21 =	vsub.f32 v21, v13  }
0xf6: {  	v14 =	vld.idx.msk [tilespmem:v14+s3+$0x0], $0xffff;
	v23 =	vsub.f32 v23, v13;
	v30 =	vmul.f32 v15, v24  }
0xf7: {  	s4 =	simm.s32 $0xDD20;
	v22 =	vsub.f32 v22, v13;
	v58 =	vmul.f32 v21, v20;
	v21 =	vld.idx.msk [tilespmem:v27+s3+$0x0], $0xffff  }
0xf8: {  	v23 =	vmul.f32 v23, v18;
	v27 =	vsub.f32 v28, v13;
	v15 =	vld.idx.msk [tilespmem:v25+s3+$0x0], $0xffff;
	[tilespmem:s4+$0xFFFFFFE0] =	vst v30  }
0xf9: {  	v22 =	vmul.f32 v22, v19;
	[tilespmem:s4+$0xFFFFFC60] =	vst v58;
	v25 =	vsub.f32 v26, v13;
	v26 =	vld [tilespmem:s5+$0xFFFFFFF0]  }
0xfa: {  	[tilespmem:s4+$0xFFFFFD60] =	vst v23;
	v23 =	vmul.f32 v27, v16  }
0xfb: {  	s26 =	simm.s32 $0x9;
	v28 =	vld [tilespmem:s5+$0xFFFFFC70];
	[tilespmem:s4+$0xFFFFFCE0] =	vst v22;
	v22 =	vmul.f32 v25, v17;
	v25 =	vsub.f32 v29, v13  }
0xfc: {  	v27 =	vsub.f32 v31, v13;
	v31 =	vld [tilespmem:s5+$0xFFFFFD70];
	[tilespmem:s4+$0xFFFFFE60] =	vst v23;
	v30 =	vadd.s32 s26, v4  }
0xfd: {  	v29 =	vld [tilespmem:s5+$0xFFFFFCF0];
	[tilespmem:s4+$0xFFFFFDE0] =	vst v22;
	v22 =	vmul.f32 v25, v14  }
0xfe: {  	v59 =	vld [tilespmem:s5+$0xFFFFFE70];
	v23 =	vmul.f32 v27, v15;
	v26 =	vsub.f32 v26, v12  }
0xff: {  	s26 =	simm.s32 $0xA;
	v25 =	vld [tilespmem:s5+$0xFFFFFDF0];
	[tilespmem:s4+$0xFFFFFEE0] =	vst v22  }
0x100: {  	v27 =	vadd.s32 s26, v4;
	v60 =	vld [tilespmem:s5+$0xFFFFFEF0];
	[tilespmem:s4+$0xFFFFFF60] =	vst v23;
	v23 =	vmul.f32 v26, v24  }
0x101: {  	v28 =	vsub.f32 v28, v12;
	v22 =	vld.idx.msk [tilespmem:v30+s3+$0x0], $0xffff  }
0x102: {  	v26 =	vsub.f32 v29, v12;
	v29 =	vld [tilespmem:s5+$0xFFFFFF70];
	[tilespmem:s4+$0xFFFFFFF0] =	vst v23  }
0x103: {  	v28 =	vmul.f32 v28, v20;
	v30 =	vsub.f32 v31, v12;
	v31 =	vld [tilespmem:s5+$0x0]  }
0x104: {  	v25 =	vsub.f32 v25, v12;
	v26 =	vmul.f32 v26, v19  }
0x105: {  	[tilespmem:s4+$0xFFFFFC70] =	vst v28;
	v23 =	vld.idx.msk [tilespmem:v27+s3+$0x0], $0xffff;
	v27 =	vmul.f32 v30, v18;
	v30 =	vsub.f32 v59, v12  }
0x106: {  	v61 =	vld [tilespmem:s5+$0xFFFFFC80];
	v25 =	vmul.f32 v25, v17;
	[tilespmem:s4+$0xFFFFFCF0] =	vst v26;
	v26 =	vsub.f32 v60, v12  }
0x107: {  	s21 =	simm.s32 $0xB;
	[tilespmem:s4+$0xFFFFFD70] =	vst v27;
	v27 =	vmul.f32 v30, v16;
	v28 =	vld [tilespmem:s5+$0xFFFFFD00];
	v30 =	vsub.f32 v29, v12  }
0x108: {  	s26 =	simm.s32 $0xC;
	[tilespmem:s4+$0xFFFFFDF0] =	vst v25;
	v29 =	vld [tilespmem:s5+$0xFFFFFD80];
	v25 =	vmul.f32 v26, v14;
	v63 =	vsub.f32 v31, v11;
	v31 =	vadd.s32 s21, v4  }
0x109: {  	v32 =	vadd.s32 s26, v4;
	s26 =	simm.s32 $0xD;
	v26 =	vld [tilespmem:s5+$0xFFFFFE00];
	[tilespmem:s4+$0xFFFFFE70] =	vst v27;
	v62 =	vmul.f32 v30, v15  }
0x10a: {  	v27 =	vld [tilespmem:s5+$0xFFFFFE80];
	v30 =	vadd.s32 s26, v4;
	[tilespmem:s4+$0xFFFFFEF0] =	vst v25  }
0x10b: {  	v33 =	vsub.f32 v61, v11;
	s26 =	simm.s32 $0xF;
	s21 =	simm.s32 $0x10;
	v25 =	vld [tilespmem:s5+$0xFFFFFF00];
	[tilespmem:s4+$0xFFFFFF70] =	vst v62;
	v24 =	vmul.f32 v63, v24  }
.LBB2_5:
0x10c: {  	p0 =	slt.u32 s21, $0x38;
	v34 =	vadd.s32 s26, v4;
	v28 =	vsub.f32 v28, v11;
	v35 =	vld [tilespmem:s5+$0xFFFFFF80]  }
0x10d: {  	v31 =	vld.idx.msk [tilespmem:v31+s3+$0x0], $0xffff;
	v33 =	vmul.f32 v33, v20;
	v29 =	vsub.f32 v29, v11;
	[tilespmem:s4+$0x0] =	vst v24;
	v20 =	vmov v21  }
0x10e: {  	v21 =	vld.idx.msk [tilespmem:v32+s3+$0x0], $0xffff;
	v24 =	vmul.f32 v28, v19;
	v26 =	vsub.f32 v26, v11;
	v19 =	vmov v22  }
0x10f: {  	s5 =	sadd.s32 $0x400, s5;
	v22 =	vld.idx.msk [tilespmem:v30+s3+$0x0], $0xffff;
	[tilespmem:s4+$0xFFFFFC80] =	vst v33;
	v28 =	vmul.f32 v29, v18;
	v27 =	vsub.f32 v27, v11;
	v18 =	vmov v23  }
0x110: {  	v23 =	vld [tilespmem:s5+$0xFFFFFFE0];
	[tilespmem:s4+$0xFFFFFD00] =	vst v24;
	v29 =	vmul.f32 v26, v17;
	v25 =	vsub.f32 v25, v11  }
0x111: {  	v24 =	vld.idx.msk [tilespmem:v34+s3+$0x0], $0xffff;
	[tilespmem:s4+$0xFFFFFD80] =	vst v28;
	v30 =	vmul.f32 v27, v16;
	v26 =	vsub.f32 v35, v11  }
0x112: {  	v27 =	vld [tilespmem:s5+$0xFFFFFC60];
	[tilespmem:s4+$0xFFFFFE00] =	vst v29;
	v29 =	vmul.f32 v25, v14  }
0x113: {  	s26 =	sadd.s32 $0x6, s18;
	s18 =	smov.u32 s21;
	v17 =	vmov v31;
	v25 =	vld [tilespmem:s5+$0xFFFFFCE0];
	[tilespmem:s4+$0xFFFFFE80] =	vst v30;
	v15 =	vmul.f32 v26, v15  }
0x114: {  	v28 =	vadd.s32 s26, v4;
	v16 =	vmov v21;
	v26 =	vld [tilespmem:s5+$0xFFFFFD60];
	[tilespmem:s4+$0xFFFFFF00] =	vst v29  }
0x115: {  	v14 =	vmov v22;
	v21 =	vld [tilespmem:s5+$0xFFFFFDE0];
	v23 =	vsub.f32 v23, v13;
	[tilespmem:s4+$0xFFFFFF80] =	vst v15  }
0x116: {  	v22 =	vadd.s32 s21, v4;
	v29 =	vld [tilespmem:s5+$0xFFFFFE60]  }
0x117: {  	v15 =	vsub.f32 v27, v13;
	v27 =	vld [tilespmem:s5+$0xFFFFFEE0];
	v23 =	vmul.f32 v23, v24  }
0x118: {  	s4 =	sadd.s32 $0x400, s4;
	v25 =	vsub.f32 v25, v13;
	v30 =	vld [tilespmem:s5+$0xFFFFFF60]  }
0x119: {  	v31 =	vmul.f32 v15, v20;
	v26 =	vsub.f32 v26, v13;
	v15 =	vld.idx.msk [tilespmem:v28+s3+$0x0], $0xffff;
	[tilespmem:s4+$0xFFFFFFE0] =	vst v23  }
0x11a: {  	v23 =	vmul.f32 v25, v19;
	v25 =	vsub.f32 v21, v13;
	v28 =	vld [tilespmem:s5+$0xFFFFFFF0]  }
0x11b: {  	v21 =	vld.idx.msk [tilespmem:v22+s3+$0x0], $0xffff;
	[tilespmem:s4+$0xFFFFFC60] =	vst v31;
	v22 =	vmul.f32 v26, v18;
	v26 =	vsub.f32 v29, v13  }
0x11c: {  	v29 =	vld [tilespmem:s5+$0xFFFFFC70];
	[tilespmem:s4+$0xFFFFFCE0] =	vst v23;
	v23 =	vmul.f32 v25, v17;
	v25 =	vsub.f32 v27, v13  }
0x11d: {  	s26 =	sadd.s32 $0x1, s21;
	v27 =	vld [tilespmem:s5+$0xFFFFFCF0];
	[tilespmem:s4+$0xFFFFFD60] =	vst v22;
	v22 =	vmul.f32 v26, v16;
	v26 =	vsub.f32 v30, v13  }
0x11e: {  	v30 =	vadd.s32 s26, v4;
	v31 =	vld [tilespmem:s5+$0xFFFFFD70];
	[tilespmem:s4+$0xFFFFFDE0] =	vst v23;
	v23 =	vmul.f32 v25, v14  }
0x11f: {  	s26 =	sadd.s32 $0x2, s21;
	v25 =	vld [tilespmem:s5+$0xFFFFFDF0];
	[tilespmem:s4+$0xFFFFFE60] =	vst v22;
	v22 =	vmul.f32 v26, v15;
	v26 =	vsub.f32 v28, v12  }
0x120: {  	v28 =	vadd.s32 s26, v4;
	v32 =	vld [tilespmem:s5+$0xFFFFFE70];
	[tilespmem:s4+$0xFFFFFEE0] =	vst v23  }
0x121: {  	v23 =	vsub.f32 v29, v12;
	v29 =	vld [tilespmem:s5+$0xFFFFFEF0];
	[tilespmem:s4+$0xFFFFFF60] =	vst v22;
	v26 =	vmul.f32 v26, v24  }
0x122: {  	v27 =	vsub.f32 v27, v12;
	v33 =	vld [tilespmem:s5+$0xFFFFFF70]  }
0x123: {  	v22 =	vld.idx.msk [tilespmem:v30+s3+$0x0], $0xffff;
	v30 =	vmul.f32 v23, v20;
	v31 =	vsub.f32 v31, v12;
	[tilespmem:s4+$0xFFFFFFF0] =	vst v26  }
0x124: {  	v26 =	vmul.f32 v27, v19;
	v25 =	vsub.f32 v25, v12;
	v27 =	vld [tilespmem:s5+$0x0]  }
0x125: {  	v23 =	vld.idx.msk [tilespmem:v28+s3+$0x0], $0xffff;
	[tilespmem:s4+$0xFFFFFC70] =	vst v30;
	v30 =	vmul.f32 v31, v18;
	v31 =	vsub.f32 v32, v12  }
0x126: {  	v34 =	vld [tilespmem:s5+$0xFFFFFC80];
	[tilespmem:s4+$0xFFFFFCF0] =	vst v26;
	v25 =	vmul.f32 v25, v17;
	v26 =	vsub.f32 v29, v12  }
.Ltmp1:
0x127: {  	s26 =	sadd.s32 $0x3, s21;
	v28 =	vld [tilespmem:s5+$0xFFFFFD00];
	[tilespmem:s4+$0xFFFFFD70] =	vst v30;
	v30 =	vmul.f32 v31, v16;
	v33 =	vsub.f32 v33, v12;
	(pc) =	sbr.rel @p0 .LBB2_5-.Ltmp1, $4  }
0x128: {  	v31 =	vadd.s32 s26, v4;
	s26 =	sadd.s32 $0x4, s21;
	v29 =	vld [tilespmem:s5+$0xFFFFFD80];
	[tilespmem:s4+$0xFFFFFDF0] =	vst v25;
	v25 =	vmul.f32 v26, v14  }
0x129: {  	v32 =	vadd.s32 s26, v4;
	s26 =	sadd.s32 $0x5, s21;
	v26 =	vld [tilespmem:s5+$0xFFFFFE00];
	[tilespmem:s4+$0xFFFFFE70] =	vst v30;
	v35 =	vmul.f32 v33, v15;
	v36 =	vsub.f32 v27, v11  }
0x12a: {  	v30 =	vadd.s32 s26, v4;
	v27 =	vld [tilespmem:s5+$0xFFFFFE80];
	[tilespmem:s4+$0xFFFFFEF0] =	vst v25  }
0x12b: {  	s21 =	sadd.s32 $0x8, s21;
	s26 =	sadd.s32 $0x7, s18;
	v33 =	vsub.f32 v34, v11;
	v25 =	vld [tilespmem:s5+$0xFFFFFF00];
	[tilespmem:s4+$0xFFFFFF70] =	vst v35;
	v24 =	vmul.f32 v36, v24  }
0x12c: {  	_ =	sdelay $0x3  }
0x12d: {  	v34 =	vadd.s32 s26, v4;
	v31 =	vld.idx.msk [tilespmem:v31+s3+$0x0], $0xffff  }
0x12e: {  	v32 =	vld.idx.msk [tilespmem:v32+s3+$0x0], $0xffff;
	s21 =	sadd.s32 $0x400, s5  }
0x12f: {  	v35 =	vld [tilespmem:s21+$0xFFFFFFE0]  }
0x130: {  	v36 =	vld [tilespmem:s21+$0xFFFFFC60]  }
0x131: {  	v37 =	vld [tilespmem:s21+$0xFFFFFCE0]  }
0x132: {  	v34 =	vld.idx.msk [tilespmem:v34+s3+$0x0], $0xffff  }
0x133: {  	v28 =	vsub.f32 v28, v11;
	s18 =	sadd.s32 $0x6, s18;
	v38 =	vld [tilespmem:s21+$0xFFFFFD60]  }
0x134: {  	v20 =	vmul.f32 v33, v20;
	v29 =	vsub.f32 v29, v11;
	v54 =	vadd.s32 s18, v4;
	v39 =	vld [tilespmem:s21+$0xFFFFFDE0]  }
0x135: {  	[tilespmem:s4+$0x0] =	vst v24;
	v19 =	vmul.f32 v28, v19;
	v28 =	vld [tilespmem:s21+$0xFFFFFE60];
	v24 =	vsub.f32 v35, v13  }
0x136: {  	[tilespmem:s4+$0xFFFFFC80] =	vst v20;
	v18 =	vmul.f32 v29, v18;
	v29 =	vld [tilespmem:s21+$0xFFFFFEE0];
	v20 =	vsub.f32 v36, v13  }
0x137: {  	v55 =	vld [tilespmem:s21+$0xFFFFFF60];
	[tilespmem:s4+$0xFFFFFD00] =	vst v19;
	v19 =	vmul.f32 v24, v34;
	v24 =	vsub.f32 v37, v13  }
0x138: {  	s26 =	sadd.s32 $0x400, s4;
	[tilespmem:s4+$0xFFFFFD80] =	vst v18;
	v18 =	vld.idx.msk [tilespmem:v30+s3+$0x0], $0xffff;
	v30 =	vsub.f32 v38, v13;
	v20 =	vmul.f32 v20, v21  }
0x139: {  	v56 =	vsub.f32 v39, v13;
	[tilespmem:s26+$0xFFFFFFE0] =	vst v19;
	v19 =	vld.idx.msk [tilespmem:v54+s3+$0x0], $0xffff;
	v24 =	vmul.f32 v24, v22  }
0x13a: {  	v28 =	vsub.f32 v28, v13;
	v30 =	vmul.f32 v30, v23;
	[tilespmem:s26+$0xFFFFFC60] =	vst v20;
	v20 =	vld [tilespmem:s21+$0xFFFFFFF0]  }
0x13b: {  	v33 =	vmul.f32 v56, v31;
	v29 =	vsub.f32 v29, v13;
	[tilespmem:s26+$0xFFFFFCE0] =	vst v24;
	v24 =	vld [tilespmem:s21+$0xFFFFFC70]  }
0x13c: {  	v28 =	vmul.f32 v28, v32;
	[tilespmem:s26+$0xFFFFFD60] =	vst v30;
	v13 =	vsub.f32 v55, v13;
	v30 =	vld [tilespmem:s21+$0xFFFFFCF0]  }
0x13d: {  	v26 =	vsub.f32 v26, v11;
	[tilespmem:s26+$0xFFFFFDE0] =	vst v33;
	v29 =	vmul.f32 v29, v18;
	v57 =	vld [tilespmem:s21+$0xFFFFFD70]  }
0x13e: {  	v27 =	vsub.f32 v27, v11;
	v33 =	vld [tilespmem:s21+$0xFFFFFDF0];
	[tilespmem:s26+$0xFFFFFE60] =	vst v28;
	v13 =	vmul.f32 v13, v19  }
0x13f: {  	v17 =	vmul.f32 v26, v17;
	v26 =	vld [tilespmem:s21+$0xFFFFFE70];
	[tilespmem:s26+$0xFFFFFEE0] =	vst v29;
	v20 =	vsub.f32 v20, v12  }
0x140: {  	v16 =	vmul.f32 v27, v16;
	v27 =	vld [tilespmem:s21+$0xFFFFFEF0];
	v24 =	vsub.f32 v24, v12;
	[tilespmem:s26+$0xFFFFFF60] =	vst v13  }
0x141: {  	[tilespmem:s4+$0xFFFFFE00] =	vst v17;
	v13 =	vmul.f32 v20, v34;
	v17 =	vsub.f32 v30, v12;
	v20 =	vld [tilespmem:s21+$0xFFFFFF70]  }
0x142: {  	[tilespmem:s4+$0xFFFFFE80] =	vst v16;
	v16 =	vmul.f32 v24, v21;
	v24 =	vsub.f32 v57, v12  }
0x143: {  	v28 =	vld [tilespmem:s5+$0xFFFFFF80];
	[tilespmem:s26+$0xFFFFFFF0] =	vst v13;
	v13 =	vmul.f32 v17, v22;
	v17 =	vsub.f32 v33, v12  }
0x144: {  	v29 =	vld [tilespmem:s21+$0x0];
	[tilespmem:s26+$0xFFFFFC70] =	vst v16;
	v16 =	vmul.f32 v24, v23;
	v24 =	vsub.f32 v26, v12  }
0x145: {  	v26 =	vld [tilespmem:s21+$0xFFFFFC80];
	[tilespmem:s26+$0xFFFFFCF0] =	vst v13;
	v13 =	vmul.f32 v17, v31;
	v17 =	vsub.f32 v27, v12  }
0x146: {  	v27 =	vld [tilespmem:s21+$0xFFFFFD00];
	[tilespmem:s26+$0xFFFFFD70] =	vst v16;
	v16 =	vmul.f32 v24, v32;
	v12 =	vsub.f32 v20, v12  }
0x147: {  	v20 =	vsub.f32 v25, v11;
	v24 =	vld [tilespmem:s21+$0xFFFFFD80];
	[tilespmem:s26+$0xFFFFFDF0] =	vst v13;
	v13 =	vmul.f32 v17, v18  }
0x148: {  	v17 =	vsub.f32 v28, v11;
	v25 =	vld [tilespmem:s21+$0xFFFFFE00];
	[tilespmem:s26+$0xFFFFFE70] =	vst v16;
	v12 =	vmul.f32 v12, v19  }
0x149: {  	v14 =	vmul.f32 v20, v14;
	v16 =	vsub.f32 v29, v11;
	v20 =	vld [tilespmem:s21+$0xFFFFFE80];
	[tilespmem:s26+$0xFFFFFEF0] =	vst v13  }
0x14a: {  	v13 =	vmul.f32 v17, v15;
	v15 =	vsub.f32 v26, v11;
	v17 =	vld [tilespmem:s21+$0xFFFFFF00];
	[tilespmem:s26+$0xFFFFFF70] =	vst v12  }
0x14b: {  	[tilespmem:s4+$0xFFFFFF00] =	vst v14;
	v12 =	vmul.f32 v16, v34;
	v14 =	vsub.f32 v27, v11;
	v16 =	vld [tilespmem:s21+$0xFFFFFF80]  }
0x14c: {  	[tilespmem:s4+$0xFFFFFF80] =	vst v13;
	v13 =	vmul.f32 v15, v21;
	v15 =	vsub.f32 v24, v11  }
0x14d: {  	[tilespmem:s26+$0x0] =	vst v12;
	v12 =	vmul.f32 v14, v22;
	v14 =	vsub.f32 v25, v11  }
0x14e: {  	[tilespmem:s26+$0xFFFFFC80] =	vst v13;
	v13 =	vmul.f32 v15, v23;
	v15 =	vsub.f32 v20, v11  }
0x14f: {  	[tilespmem:s26+$0xFFFFFD00] =	vst v12;
	v12 =	vmul.f32 v14, v31;
	v14 =	vsub.f32 v17, v11  }
0x150: {  	[tilespmem:s26+$0xFFFFFD80] =	vst v13;
	v13 =	vmul.f32 v15, v32;
	v11 =	vsub.f32 v16, v11  }
0x151: {  	[tilespmem:s26+$0xFFFFFE00] =	vst v12;
	v12 =	vmul.f32 v14, v18  }
0x152: {  	s12 =	sshll.u32 s12, $0xA;
	[tilespmem:s26+$0xFFFFFE80] =	vst v13;
	v11 =	vmul.f32 v11, v19  }
0x153: {  	s18 =	simm.s32 $0xB980;
	s4 =	sand.u32 $0xFFF800, s12;
	[tilespmem:s26+$0xFFFFFF00] =	vst v12  }
0x154: {  	s5 =	simm.s32 $0x0;
	s21 =	sadd.s32 $0x2, s14;
	s4 =	sadd.s32 s8, s4;
	[tilespmem:s26+$0xFFFFFF80] =	vst v11  }
0x155: {  	[hbm4b:s4+s5] =	stream.linear.scatter [tilespmem:s18], [sflag:$0x7], $0x4000, $0x38;
	[tilespmem:$0x13E00] =	vst v63  }
0x156: {  	s4 =	smin.u32 s21, s9  }
0x157: {  	s4 =	sshll.u32 s4, $0x5  }
0x158: {  	s4 =	sor.u32 s7, s4  }
0x159: {  	s26 =	sshll.u32 s4, $0x4  }
0x15a: {  	s4 =	sshll.u32 s4, $0x1;
	s12 =	sadd.s32 s2, s26  }
0x15b: {  	v11 =	vadd.s32 s4, v3;
	[tilespmem:s16], [sflag:$0x1] =	stream.linear.gather [hbm4b:s12+s5], $0x80, $0x38;
	[tilespmem:$0x13E00] =	vst v63  }
0x15c: {  	s18 =	simm.s32 $0x2880;
	[tilespmem:$0x2880] =	vst v11  }
0x15d: {  	[tilespmem:s19], [sflag:$0x3] =	stream.indirect.gather [hbm4b:s1+s17], $0x80, s18, s17, $0xb8;
	[tilespmem:$0x13E00] =	vst v63  }
0x15e: {  	_ =	swait.ge [sflag:s15], $0x4000  }
0x15f: {  	[sflag:s15] =	ssyncset.done $0x0  }
0x160: {  	[sflag:s15] =	ssyncadd.s32 $0xFFFFC000  }
0x161: {  	_ =	swait.ge [sflag:s10], $0x4000  }
0x162: {  	[sflag:s10] =	ssyncset.done $0x0  }
0x163: {  	[sflag:s10] =	ssyncadd.s32 $0xFFFFC000  }
0x164: {  	_ =	swait.ge [sflag:s23], $0x80  }
0x165: {  	[sflag:s23] =	ssyncset.done $0x0  }
0x166: {  	[sflag:s23] =	ssyncadd.s32 $0xFFFFFF80  }
0x167: {  	s21 =	sor.u32 $0x1, s14;
	_ =	swait.ge [sflag:s24], $0x800  }
0x168: {  	s4 =	smin.u32 s21, s9;
	[sflag:s24] =	ssyncset.done $0x0  }
0x169: {  	s26 =	simm.s32 $0x3980;
	s4 =	sshll.u32 s4, $0x6;
	[sflag:s24] =	ssyncadd.s32 $0xFFFFF800  }
0x16a: {  	[tilespmem:s26], [sflag:$0x5] =	stream.indirect.gather [hbm4b:s1+s25], $0x80, s16, s25, $0xb8;
	[tilespmem:$0x13E00] =	vst v63  }
0x16b: {  	s12 =	sor.u32 s11, s4;
	v11 =	vld [tilespmem:$0x2800]  }
0x16c: {  	v12 =	vadd.s32 s12, v4;
	_ =	sdelay $0x4  }
0x16d: {  	v12 =	vld.idx.msk [tilespmem:v12+s5+$0x0], $0xffff;
	_ =	sdelay $0x1  }
0x16e: {  	v11 =	vld.idx.msk [tilespmem:v11+s5+$0x0], $0xffff;
	_ =	sdelay $0x1  }
0x16f: {  	v14 =	vld [tilespmem:$0x2810]  }
0x170: {  	vm0 =	vgt.s32 v12, $0x0  }
0x171: {  	v12 =	vsel vm0, $0x3F800000, v2  }
0x172: {  	v15 =	vmul.f32 $1.000000010e-01, v12;
	vm12 =	vgt.s32 v11, $0x0  }
0x173: {  	v11 =	vsel vm12, $0x3F800000, v2  }
0x174: {  	v13 =	vld.idx.msk [tilespmem:v5+s22+$0x0], $0xffff;
	v16 =	vmul.f32 v11, v15  }
0x175: {  	v12 =	vld.idx.msk [tilespmem:v6+s22+$0x0], $0xffff  }
0x176: {  	v11 =	vld.idx.msk [tilespmem:v7+s22+$0x0], $0xffff;
	[tilespmem:$0x13980] =	vst v16  }
0x177: {  	v14 =	vld.idx.msk [tilespmem:v14+s5+$0x0], $0xffff;
	_ =	sdelay $0x1  }
0x178: {  	v16 =	vld [tilespmem:$0x2820];
	_ =	sdelay $0x2  }
0x179: {  	vm13 =	vgt.s32 v14, $0x0  }
0x17a: {  	v14 =	vsel vm13, $0x3F800000, v2  }
0x17b: {  	v14 =	vmul.f32 v14, v15;
	_ =	sdelay $0x1  }
0x17c: {  	[tilespmem:$0x13990] =	vst v14  }
0x17d: {  	v14 =	vld.idx.msk [tilespmem:v16+s5+$0x0], $0xffff;
	_ =	sdelay $0x1  }
0x17e: {  	v16 =	vld [tilespmem:$0x2830];
	_ =	sdelay $0x2  }
0x17f: {  	vm14 =	vgt.s32 v14, $0x0  }
0x180: {  	v14 =	vsel vm14, $0x3F800000, v2  }
0x181: {  	v14 =	vmul.f32 v14, v15;
	_ =	sdelay $0x1  }
0x182: {  	[tilespmem:$0x139A0] =	vst v14  }
0x183: {  	v14 =	vld.idx.msk [tilespmem:v16+s5+$0x0], $0xffff;
	_ =	sdelay $0x4  }
0x184: {  	vm15 =	vgt.s32 v14, $0x0;
	v14 =	vadd.s32 s5, v4;
	s5 =	simm.s32 $0x1  }
0x185: {  	s21 =	simm.s32 $0x3;
	v16 =	vsel vm15, $0x3F800000, v2;
	v17 =	vadd.s32 s5, v4  }
0x186: {  	v21 =	vadd.s32 s21, v4;
	v15 =	vmul.f32 v16, v15;
	_ =	sdelay $0x1  }
0x187: {  	s18 =	simm.s32 $0x2;
	[tilespmem:$0x139B0] =	vst v15  }
0x188: {  	s26 =	simm.s32 $0x4;
	v16 =	vadd.s32 s18, v4;
	v20 =	vld.idx.msk [tilespmem:v14+s3+$0x0], $0xffff  }
0x189: {  	s5 =	simm.s32 $0x5;
	v15 =	vadd.s32 s26, v4;
	v19 =	vld.idx.msk [tilespmem:v17+s3+$0x0], $0xffff  }
0x18a: {  	v14 =	vadd.s32 s5, v4;
	s5 =	simm.s32 $0x7B80;
	v17 =	vld.idx.msk [tilespmem:v21+s3+$0x0], $0xffff  }
0x18b: {  	s18 =	simm.s32 $0x7;
	v21 =	vld [tilespmem:s5+$0xFFFFFE00]  }
0x18c: {  	v22 =	vadd.s32 s18, v4;
	v23 =	vld [tilespmem:s5+$0xFFFFFF00]  }
0x18d: {  	v18 =	vld.idx.msk [tilespmem:v16+s3+$0x0], $0xffff  }
0x18e: {  	v16 =	vld.idx.msk [tilespmem:v15+s3+$0x0], $0xffff  }
0x18f: {  	v15 =	vld [tilespmem:s5+$0x180]  }
0x190: {  	v26 =	vld [tilespmem:s5+$0xFFFFFF80]  }
0x191: {  	s18 =	simm.s32 $0x8;
	v24 =	vld.idx.msk [tilespmem:v22+s3+$0x0], $0xffff  }
0x192: {  	s21 =	simm.s32 $0x6;
	v27 =	vadd.s32 s18, v4;
	v22 =	vld [tilespmem:s5+$0xFFFFFE80]  }
0x193: {  	v25 =	vadd.s32 s21, v4;
	v28 =	vld [tilespmem:s5+$0x0]  }
0x194: {  	v29 =	vld [tilespmem:s5+$0x80];
	v15 =	vsub.f32 v15, v13  }
0x195: {  	v31 =	vld [tilespmem:s5+$0x100];
	v21 =	vsub.f32 v21, v13  }
0x196: {  	v14 =	vld.idx.msk [tilespmem:v14+s3+$0x0], $0xffff;
	v23 =	vsub.f32 v23, v13;
	v30 =	vmul.f32 v15, v24  }
0x197: {  	s4 =	simm.s32 $0xFB80;
	v22 =	vsub.f32 v22, v13;
	v58 =	vmul.f32 v21, v20;
	v21 =	vld.idx.msk [tilespmem:v27+s3+$0x0], $0xffff  }
0x198: {  	v23 =	vmul.f32 v23, v18;
	v27 =	vsub.f32 v28, v13;
	v15 =	vld.idx.msk [tilespmem:v25+s3+$0x0], $0xffff;
	[tilespmem:s4+$0x180] =	vst v30  }
0x199: {  	v22 =	vmul.f32 v22, v19;
	[tilespmem:s4+$0xFFFFFE00] =	vst v58;
	v25 =	vsub.f32 v26, v13;
	v26 =	vld [tilespmem:s5+$0x190]  }
0x19a: {  	[tilespmem:s4+$0xFFFFFF00] =	vst v23;
	v23 =	vmul.f32 v27, v16  }
0x19b: {  	s26 =	simm.s32 $0x9;
	v28 =	vld [tilespmem:s5+$0xFFFFFE10];
	[tilespmem:s4+$0xFFFFFE80] =	vst v22;
	v22 =	vmul.f32 v25, v17;
	v25 =	vsub.f32 v29, v13  }
0x19c: {  	v27 =	vsub.f32 v31, v13;
	v31 =	vld [tilespmem:s5+$0xFFFFFF10];
	[tilespmem:s4+$0x0] =	vst v23;
	v30 =	vadd.s32 s26, v4  }
0x19d: {  	v29 =	vld [tilespmem:s5+$0xFFFFFE90];
	[tilespmem:s4+$0xFFFFFF80] =	vst v22;
	v22 =	vmul.f32 v25, v14  }
0x19e: {  	v59 =	vld [tilespmem:s5+$0x10];
	v23 =	vmul.f32 v27, v15;
	v26 =	vsub.f32 v26, v12  }
0x19f: {  	s26 =	simm.s32 $0xA;
	v25 =	vld [tilespmem:s5+$0xFFFFFF90];
	[tilespmem:s4+$0x80] =	vst v22  }
0x1a0: {  	v27 =	vadd.s32 s26, v4;
	v60 =	vld [tilespmem:s5+$0x90];
	[tilespmem:s4+$0x100] =	vst v23;
	v23 =	vmul.f32 v26, v24  }
0x1a1: {  	v28 =	vsub.f32 v28, v12;
	v22 =	vld.idx.msk [tilespmem:v30+s3+$0x0], $0xffff  }
0x1a2: {  	v26 =	vsub.f32 v29, v12;
	v29 =	vld [tilespmem:s5+$0x110];
	[tilespmem:s4+$0x190] =	vst v23  }
0x1a3: {  	v28 =	vmul.f32 v28, v20;
	v30 =	vsub.f32 v31, v12;
	v31 =	vld [tilespmem:s5+$0x1A0]  }
0x1a4: {  	v25 =	vsub.f32 v25, v12;
	v26 =	vmul.f32 v26, v19  }
0x1a5: {  	[tilespmem:s4+$0xFFFFFE10] =	vst v28;
	v23 =	vld.idx.msk [tilespmem:v27+s3+$0x0], $0xffff;
	v27 =	vmul.f32 v30, v18;
	v30 =	vsub.f32 v59, v12  }
0x1a6: {  	v61 =	vld [tilespmem:s5+$0xFFFFFE20];
	v25 =	vmul.f32 v25, v17;
	[tilespmem:s4+$0xFFFFFE90] =	vst v26;
	v26 =	vsub.f32 v60, v12  }
0x1a7: {  	s21 =	simm.s32 $0xB;
	[tilespmem:s4+$0xFFFFFF10] =	vst v27;
	v27 =	vmul.f32 v30, v16;
	v28 =	vld [tilespmem:s5+$0xFFFFFEA0];
	v30 =	vsub.f32 v29, v12  }
0x1a8: {  	s26 =	simm.s32 $0xC;
	[tilespmem:s4+$0xFFFFFF90] =	vst v25;
	v29 =	vld [tilespmem:s5+$0xFFFFFF20];
	v25 =	vmul.f32 v26, v14;
	v63 =	vsub.f32 v31, v11;
	v31 =	vadd.s32 s21, v4  }
0x1a9: {  	v32 =	vadd.s32 s26, v4;
	s26 =	simm.s32 $0xD;
	v26 =	vld [tilespmem:s5+$0xFFFFFFA0];
	[tilespmem:s4+$0x10] =	vst v27;
	v62 =	vmul.f32 v30, v15  }
0x1aa: {  	v27 =	vld [tilespmem:s5+$0x20];
	v30 =	vadd.s32 s26, v4;
	[tilespmem:s4+$0x90] =	vst v25  }
0x1ab: {  	v33 =	vsub.f32 v61, v11;
	s26 =	simm.s32 $0xF;
	s21 =	simm.s32 $0x10;
	v25 =	vld [tilespmem:s5+$0xA0];
	[tilespmem:s4+$0x110] =	vst v62;
	v24 =	vmul.f32 v63, v24  }
.LBB2_7:
0x1ac: {  	p0 =	slt.u32 s21, $0x38;
	v34 =	vadd.s32 s26, v4;
	v28 =	vsub.f32 v28, v11;
	v35 =	vld [tilespmem:s5+$0x120]  }
0x1ad: {  	v31 =	vld.idx.msk [tilespmem:v31+s3+$0x0], $0xffff;
	v33 =	vmul.f32 v33, v20;
	v29 =	vsub.f32 v29, v11;
	[tilespmem:s4+$0x1A0] =	vst v24;
	v20 =	vmov v21  }
0x1ae: {  	v21 =	vld.idx.msk [tilespmem:v32+s3+$0x0], $0xffff;
	v24 =	vmul.f32 v28, v19;
	v26 =	vsub.f32 v26, v11;
	v19 =	vmov v22  }
0x1af: {  	s5 =	sadd.s32 $0x400, s5;
	v22 =	vld.idx.msk [tilespmem:v30+s3+$0x0], $0xffff;
	[tilespmem:s4+$0xFFFFFE20] =	vst v33;
	v28 =	vmul.f32 v29, v18;
	v27 =	vsub.f32 v27, v11;
	v18 =	vmov v23  }
0x1b0: {  	v23 =	vld [tilespmem:s5+$0x180];
	[tilespmem:s4+$0xFFFFFEA0] =	vst v24;
	v29 =	vmul.f32 v26, v17;
	v25 =	vsub.f32 v25, v11  }
0x1b1: {  	v24 =	vld.idx.msk [tilespmem:v34+s3+$0x0], $0xffff;
	[tilespmem:s4+$0xFFFFFF20] =	vst v28;
	v30 =	vmul.f32 v27, v16;
	v26 =	vsub.f32 v35, v11  }
0x1b2: {  	v27 =	vld [tilespmem:s5+$0xFFFFFE00];
	[tilespmem:s4+$0xFFFFFFA0] =	vst v29;
	v29 =	vmul.f32 v25, v14  }
0x1b3: {  	s26 =	sadd.s32 $0x6, s18;
	s18 =	smov.u32 s21;
	v17 =	vmov v31;
	v25 =	vld [tilespmem:s5+$0xFFFFFE80];
	[tilespmem:s4+$0x20] =	vst v30;
	v15 =	vmul.f32 v26, v15  }
0x1b4: {  	v28 =	vadd.s32 s26, v4;
	v16 =	vmov v21;
	v26 =	vld [tilespmem:s5+$0xFFFFFF00];
	[tilespmem:s4+$0xA0] =	vst v29  }
0x1b5: {  	v14 =	vmov v22;
	v21 =	vld [tilespmem:s5+$0xFFFFFF80];
	v23 =	vsub.f32 v23, v13;
	[tilespmem:s4+$0x120] =	vst v15  }
0x1b6: {  	v22 =	vadd.s32 s21, v4;
	v29 =	vld [tilespmem:s5+$0x0]  }
0x1b7: {  	v15 =	vsub.f32 v27, v13;
	v27 =	vld [tilespmem:s5+$0x80];
	v23 =	vmul.f32 v23, v24  }
0x1b8: {  	s4 =	sadd.s32 $0x400, s4;
	v25 =	vsub.f32 v25, v13;
	v30 =	vld [tilespmem:s5+$0x100]  }
0x1b9: {  	v31 =	vmul.f32 v15, v20;
	v26 =	vsub.f32 v26, v13;
	v15 =	vld.idx.msk [tilespmem:v28+s3+$0x0], $0xffff;
	[tilespmem:s4+$0x180] =	vst v23  }
0x1ba: {  	v23 =	vmul.f32 v25, v19;
	v25 =	vsub.f32 v21, v13;
	v28 =	vld [tilespmem:s5+$0x190]  }
0x1bb: {  	v21 =	vld.idx.msk [tilespmem:v22+s3+$0x0], $0xffff;
	[tilespmem:s4+$0xFFFFFE00] =	vst v31;
	v22 =	vmul.f32 v26, v18;
	v26 =	vsub.f32 v29, v13  }
0x1bc: {  	v29 =	vld [tilespmem:s5+$0xFFFFFE10];
	[tilespmem:s4+$0xFFFFFE80] =	vst v23;
	v23 =	vmul.f32 v25, v17;
	v25 =	vsub.f32 v27, v13  }
0x1bd: {  	s26 =	sadd.s32 $0x1, s21;
	v27 =	vld [tilespmem:s5+$0xFFFFFE90];
	[tilespmem:s4+$0xFFFFFF00] =	vst v22;
	v22 =	vmul.f32 v26, v16;
	v26 =	vsub.f32 v30, v13  }
0x1be: {  	v30 =	vadd.s32 s26, v4;
	v31 =	vld [tilespmem:s5+$0xFFFFFF10];
	[tilespmem:s4+$0xFFFFFF80] =	vst v23;
	v23 =	vmul.f32 v25, v14  }
0x1bf: {  	s26 =	sadd.s32 $0x2, s21;
	v25 =	vld [tilespmem:s5+$0xFFFFFF90];
	[tilespmem:s4+$0x0] =	vst v22;
	v22 =	vmul.f32 v26, v15;
	v26 =	vsub.f32 v28, v12  }
0x1c0: {  	v28 =	vadd.s32 s26, v4;
	v32 =	vld [tilespmem:s5+$0x10];
	[tilespmem:s4+$0x80] =	vst v23  }
0x1c1: {  	v23 =	vsub.f32 v29, v12;
	v29 =	vld [tilespmem:s5+$0x90];
	[tilespmem:s4+$0x100] =	vst v22;
	v26 =	vmul.f32 v26, v24  }
0x1c2: {  	v27 =	vsub.f32 v27, v12;
	v33 =	vld [tilespmem:s5+$0x110]  }
0x1c3: {  	v22 =	vld.idx.msk [tilespmem:v30+s3+$0x0], $0xffff;
	v30 =	vmul.f32 v23, v20;
	v31 =	vsub.f32 v31, v12;
	[tilespmem:s4+$0x190] =	vst v26  }
0x1c4: {  	v26 =	vmul.f32 v27, v19;
	v25 =	vsub.f32 v25, v12;
	v27 =	vld [tilespmem:s5+$0x1A0]  }
0x1c5: {  	v23 =	vld.idx.msk [tilespmem:v28+s3+$0x0], $0xffff;
	[tilespmem:s4+$0xFFFFFE10] =	vst v30;
	v30 =	vmul.f32 v31, v18;
	v31 =	vsub.f32 v32, v12  }
0x1c6: {  	v34 =	vld [tilespmem:s5+$0xFFFFFE20];
	[tilespmem:s4+$0xFFFFFE90] =	vst v26;
	v25 =	vmul.f32 v25, v17;
	v26 =	vsub.f32 v29, v12  }
.Ltmp2:
0x1c7: {  	s26 =	sadd.s32 $0x3, s21;
	v28 =	vld [tilespmem:s5+$0xFFFFFEA0];
	[tilespmem:s4+$0xFFFFFF10] =	vst v30;
	v30 =	vmul.f32 v31, v16;
	v33 =	vsub.f32 v33, v12;
	(pc) =	sbr.rel @p0 .LBB2_7-.Ltmp2, $4  }
0x1c8: {  	v31 =	vadd.s32 s26, v4;
	s26 =	sadd.s32 $0x4, s21;
	v29 =	vld [tilespmem:s5+$0xFFFFFF20];
	[tilespmem:s4+$0xFFFFFF90] =	vst v25;
	v25 =	vmul.f32 v26, v14  }
0x1c9: {  	v32 =	vadd.s32 s26, v4;
	s26 =	sadd.s32 $0x5, s21;
	v26 =	vld [tilespmem:s5+$0xFFFFFFA0];
	[tilespmem:s4+$0x10] =	vst v30;
	v35 =	vmul.f32 v33, v15;
	v36 =	vsub.f32 v27, v11  }
0x1ca: {  	v30 =	vadd.s32 s26, v4;
	v27 =	vld [tilespmem:s5+$0x20];
	[tilespmem:s4+$0x90] =	vst v25  }
0x1cb: {  	s21 =	sadd.s32 $0x8, s21;
	s26 =	sadd.s32 $0x7, s18;
	v33 =	vsub.f32 v34, v11;
	v25 =	vld [tilespmem:s5+$0xA0];
	[tilespmem:s4+$0x110] =	vst v35;
	v24 =	vmul.f32 v36, v24  }
0x1cc: {  	_ =	sdelay $0x3  }
0x1cd: {  	v34 =	vadd.s32 s26, v4;
	v31 =	vld.idx.msk [tilespmem:v31+s3+$0x0], $0xffff  }
0x1ce: {  	v32 =	vld.idx.msk [tilespmem:v32+s3+$0x0], $0xffff;
	s21 =	sadd.s32 $0x400, s5  }
0x1cf: {  	v35 =	vld [tilespmem:s21+$0x180]  }
0x1d0: {  	v36 =	vld [tilespmem:s21+$0xFFFFFE00]  }
0x1d1: {  	v37 =	vld [tilespmem:s21+$0xFFFFFE80]  }
0x1d2: {  	v34 =	vld.idx.msk [tilespmem:v34+s3+$0x0], $0xffff  }
0x1d3: {  	v28 =	vsub.f32 v28, v11;
	s18 =	sadd.s32 $0x6, s18;
	v38 =	vld [tilespmem:s21+$0xFFFFFF00]  }
0x1d4: {  	v20 =	vmul.f32 v33, v20;
	v29 =	vsub.f32 v29, v11;
	v54 =	vadd.s32 s18, v4;
	v39 =	vld [tilespmem:s21+$0xFFFFFF80]  }
0x1d5: {  	[tilespmem:s4+$0x1A0] =	vst v24;
	v19 =	vmul.f32 v28, v19;
	v28 =	vld [tilespmem:s21+$0x0];
	v24 =	vsub.f32 v35, v13  }
0x1d6: {  	[tilespmem:s4+$0xFFFFFE20] =	vst v20;
	v18 =	vmul.f32 v29, v18;
	v29 =	vld [tilespmem:s21+$0x80];
	v20 =	vsub.f32 v36, v13  }
0x1d7: {  	v55 =	vld [tilespmem:s21+$0x100];
	[tilespmem:s4+$0xFFFFFEA0] =	vst v19;
	v19 =	vmul.f32 v24, v34;
	v24 =	vsub.f32 v37, v13  }
0x1d8: {  	s26 =	sadd.s32 $0x400, s4;
	[tilespmem:s4+$0xFFFFFF20] =	vst v18;
	v18 =	vld.idx.msk [tilespmem:v30+s3+$0x0], $0xffff;
	v30 =	vsub.f32 v38, v13;
	v20 =	vmul.f32 v20, v21  }
0x1d9: {  	v56 =	vsub.f32 v39, v13;
	[tilespmem:s26+$0x180] =	vst v19;
	v19 =	vld.idx.msk [tilespmem:v54+s3+$0x0], $0xffff;
	v24 =	vmul.f32 v24, v22  }
0x1da: {  	v28 =	vsub.f32 v28, v13;
	v30 =	vmul.f32 v30, v23;
	[tilespmem:s26+$0xFFFFFE00] =	vst v20;
	v20 =	vld [tilespmem:s21+$0x190]  }
0x1db: {  	v33 =	vmul.f32 v56, v31;
	v29 =	vsub.f32 v29, v13;
	[tilespmem:s26+$0xFFFFFE80] =	vst v24;
	v24 =	vld [tilespmem:s21+$0xFFFFFE10]  }
0x1dc: {  	v28 =	vmul.f32 v28, v32;
	[tilespmem:s26+$0xFFFFFF00] =	vst v30;
	v13 =	vsub.f32 v55, v13;
	v30 =	vld [tilespmem:s21+$0xFFFFFE90]  }
0x1dd: {  	v26 =	vsub.f32 v26, v11;
	[tilespmem:s26+$0xFFFFFF80] =	vst v33;
	v29 =	vmul.f32 v29, v18;
	v57 =	vld [tilespmem:s21+$0xFFFFFF10]  }
0x1de: {  	v27 =	vsub.f32 v27, v11;
	v33 =	vld [tilespmem:s21+$0xFFFFFF90];
	[tilespmem:s26+$0x0] =	vst v28;
	v13 =	vmul.f32 v13, v19  }
0x1df: {  	v17 =	vmul.f32 v26, v17;
	v26 =	vld [tilespmem:s21+$0x10];
	[tilespmem:s26+$0x80] =	vst v29;
	v20 =	vsub.f32 v20, v12  }
0x1e0: {  	v16 =	vmul.f32 v27, v16;
	v27 =	vld [tilespmem:s21+$0x90];
	v24 =	vsub.f32 v24, v12;
	[tilespmem:s26+$0x100] =	vst v13  }
0x1e1: {  	[tilespmem:s4+$0xFFFFFFA0] =	vst v17;
	v13 =	vmul.f32 v20, v34;
	v17 =	vsub.f32 v30, v12;
	v20 =	vld [tilespmem:s21+$0x110]  }
0x1e2: {  	[tilespmem:s4+$0x20] =	vst v16;
	v16 =	vmul.f32 v24, v21;
	v24 =	vsub.f32 v57, v12  }
0x1e3: {  	v28 =	vld [tilespmem:s5+$0x120];
	[tilespmem:s26+$0x190] =	vst v13;
	v13 =	vmul.f32 v17, v22;
	v17 =	vsub.f32 v33, v12  }
0x1e4: {  	v29 =	vld [tilespmem:s21+$0x1A0];
	[tilespmem:s26+$0xFFFFFE10] =	vst v16;
	v16 =	vmul.f32 v24, v23;
	v24 =	vsub.f32 v26, v12  }
0x1e5: {  	v26 =	vld [tilespmem:s21+$0xFFFFFE20];
	[tilespmem:s26+$0xFFFFFE90] =	vst v13;
	v13 =	vmul.f32 v17, v31;
	v17 =	vsub.f32 v27, v12  }
0x1e6: {  	v27 =	vld [tilespmem:s21+$0xFFFFFEA0];
	[tilespmem:s26+$0xFFFFFF10] =	vst v16;
	v16 =	vmul.f32 v24, v32;
	v12 =	vsub.f32 v20, v12  }
0x1e7: {  	v20 =	vsub.f32 v25, v11;
	v24 =	vld [tilespmem:s21+$0xFFFFFF20];
	[tilespmem:s26+$0xFFFFFF90] =	vst v13;
	v13 =	vmul.f32 v17, v18  }
0x1e8: {  	v17 =	vsub.f32 v28, v11;
	v25 =	vld [tilespmem:s21+$0xFFFFFFA0];
	[tilespmem:s26+$0x10] =	vst v16;
	v12 =	vmul.f32 v12, v19  }
0x1e9: {  	v14 =	vmul.f32 v20, v14;
	v16 =	vsub.f32 v29, v11;
	v20 =	vld [tilespmem:s21+$0x20];
	[tilespmem:s26+$0x90] =	vst v13  }
0x1ea: {  	v13 =	vmul.f32 v17, v15;
	v15 =	vsub.f32 v26, v11;
	v17 =	vld [tilespmem:s21+$0xA0];
	[tilespmem:s26+$0x110] =	vst v12  }
0x1eb: {  	[tilespmem:s4+$0xA0] =	vst v14;
	v12 =	vmul.f32 v16, v34;
	v14 =	vsub.f32 v27, v11;
	v16 =	vld [tilespmem:s21+$0x120]  }
0x1ec: {  	[tilespmem:s4+$0x120] =	vst v13;
	v13 =	vmul.f32 v15, v21;
	v15 =	vsub.f32 v24, v11  }
0x1ed: {  	[tilespmem:s26+$0x1A0] =	vst v12;
	v12 =	vmul.f32 v14, v22;
	v14 =	vsub.f32 v25, v11  }
0x1ee: {  	[tilespmem:s26+$0xFFFFFE20] =	vst v13;
	v13 =	vmul.f32 v15, v23;
	v15 =	vsub.f32 v20, v11  }
0x1ef: {  	[tilespmem:s26+$0xFFFFFEA0] =	vst v12;
	v12 =	vmul.f32 v14, v31;
	v14 =	vsub.f32 v17, v11  }
0x1f0: {  	[tilespmem:s26+$0xFFFFFF20] =	vst v13;
	v13 =	vmul.f32 v15, v32;
	v11 =	vsub.f32 v16, v11  }
0x1f1: {  	[tilespmem:s26+$0xFFFFFFA0] =	vst v12;
	v12 =	vmul.f32 v14, v18  }
0x1f2: {  	[tilespmem:s26+$0x20] =	vst v13;
	v11 =	vmul.f32 v11, v19  }
0x1f3: {  	[tilespmem:s26+$0xA0] =	vst v12  }
0x1f4: {  	[tilespmem:s26+$0x120] =	vst v11  }
0x1f5: {  	s21 =	sor.u32 $0x1, s12;
	v11 =	vld [tilespmem:$0x2840]  }
0x1f6: {  	v12 =	vadd.s32 s21, v4;
	_ =	sdelay $0x3  }
0x1f7: {  	s26 =	simm.s32 $0x0  }
0x1f8: {  	v12 =	vld.idx.msk [tilespmem:v12+s26+$0x0], $0xffff;
	_ =	sdelay $0x1  }
0x1f9: {  	v11 =	vld.idx.msk [tilespmem:v11+s26+$0x0], $0xffff;
	_ =	sdelay $0x1  }
0x1fa: {  	v14 =	vld [tilespmem:$0x2850]  }
0x1fb: {  	vm0 =	vgt.s32 v12, $0x0  }
0x1fc: {  	v12 =	vsel vm0, $0x3F800000, v2  }
0x1fd: {  	v15 =	vmul.f32 $1.000000010e-01, v12;
	vm12 =	vgt.s32 v11, $0x0  }
0x1fe: {  	v11 =	vsel vm12, $0x3F800000, v2  }
0x1ff: {  	v13 =	vld.idx.msk [tilespmem:v8+s22+$0x0], $0xffff;
	v16 =	vmul.f32 v11, v15  }
0x200: {  	v12 =	vld.idx.msk [tilespmem:v9+s22+$0x0], $0xffff  }
0x201: {  	v11 =	vld.idx.msk [tilespmem:v10+s22+$0x0], $0xffff;
	[tilespmem:$0x13980] =	vst v16  }
0x202: {  	v14 =	vld.idx.msk [tilespmem:v14+s26+$0x0], $0xffff;
	_ =	sdelay $0x1  }
0x203: {  	v16 =	vld [tilespmem:$0x2860];
	_ =	sdelay $0x2  }
0x204: {  	vm13 =	vgt.s32 v14, $0x0  }
0x205: {  	v14 =	vsel vm13, $0x3F800000, v2  }
0x206: {  	v14 =	vmul.f32 v14, v15;
	_ =	sdelay $0x1  }
0x207: {  	[tilespmem:$0x13990] =	vst v14  }
0x208: {  	v14 =	vld.idx.msk [tilespmem:v16+s26+$0x0], $0xffff;
	_ =	sdelay $0x1  }
0x209: {  	v16 =	vld [tilespmem:$0x2870];
	_ =	sdelay $0x2  }
0x20a: {  	vm14 =	vgt.s32 v14, $0x0  }
0x20b: {  	v14 =	vsel vm14, $0x3F800000, v2  }
0x20c: {  	v14 =	vmul.f32 v14, v15;
	_ =	sdelay $0x1  }
0x20d: {  	[tilespmem:$0x139A0] =	vst v14  }
0x20e: {  	v14 =	vld.idx.msk [tilespmem:v16+s26+$0x0], $0xffff;
	_ =	sdelay $0x4  }
0x20f: {  	s5 =	simm.s32 $0x1;
	vm15 =	vgt.s32 v14, $0x0;
	v14 =	vadd.s32 s26, v4  }
0x210: {  	v17 =	vadd.s32 s5, v4;
	s21 =	simm.s32 $0x3;
	v16 =	vsel vm15, $0x3F800000, v2  }
0x211: {  	v21 =	vadd.s32 s21, v4;
	v15 =	vmul.f32 v16, v15;
	_ =	sdelay $0x1  }
0x212: {  	s18 =	simm.s32 $0x2;
	[tilespmem:$0x139B0] =	vst v15  }
0x213: {  	s26 =	simm.s32 $0x4;
	v16 =	vadd.s32 s18, v4;
	v20 =	vld.idx.msk [tilespmem:v14+s3+$0x0], $0xffff  }
0x214: {  	s5 =	simm.s32 $0x5;
	v15 =	vadd.s32 s26, v4;
	v19 =	vld.idx.msk [tilespmem:v17+s3+$0x0], $0xffff  }
0x215: {  	v14 =	vadd.s32 s5, v4;
	v17 =	vld.idx.msk [tilespmem:v21+s3+$0x0], $0xffff;
	s5 =	simm.s32 $0x9D20  }
0x216: {  	s18 =	simm.s32 $0x7;
	v21 =	vld [tilespmem:s5+$0xFFFFFC60]  }
0x217: {  	v22 =	vadd.s32 s18, v4;
	v23 =	vld [tilespmem:s5+$0xFFFFFD60]  }
0x218: {  	v18 =	vld.idx.msk [tilespmem:v16+s3+$0x0], $0xffff  }
0x219: {  	v16 =	vld.idx.msk [tilespmem:v15+s3+$0x0], $0xffff  }
0x21a: {  	v15 =	vld [tilespmem:s5+$0xFFFFFFE0]  }
0x21b: {  	v26 =	vld [tilespmem:s5+$0xFFFFFDE0]  }
0x21c: {  	s18 =	simm.s32 $0x8;
	v24 =	vld.idx.msk [tilespmem:v22+s3+$0x0], $0xffff  }
0x21d: {  	s21 =	simm.s32 $0x6;
	v27 =	vadd.s32 s18, v4;
	v22 =	vld [tilespmem:s5+$0xFFFFFCE0]  }
0x21e: {  	v25 =	vadd.s32 s21, v4;
	v28 =	vld [tilespmem:s5+$0xFFFFFE60]  }
0x21f: {  	v29 =	vld [tilespmem:s5+$0xFFFFFEE0];
	v15 =	vsub.f32 v15, v13  }
0x220: {  	v31 =	vld [tilespmem:s5+$0xFFFFFF60];
	v21 =	vsub.f32 v21, v13  }
0x221: {  	v14 =	vld.idx.msk [tilespmem:v14+s3+$0x0], $0xffff;
	v23 =	vsub.f32 v23, v13;
	v30 =	vmul.f32 v15, v24  }
0x222: {  	s4 =	simm.s32 $0x11D20;
	v22 =	vsub.f32 v22, v13;
	v58 =	vmul.f32 v21, v20;
	v21 =	vld.idx.msk [tilespmem:v27+s3+$0x0], $0xffff  }
0x223: {  	v23 =	vmul.f32 v23, v18;
	v27 =	vsub.f32 v28, v13;
	v15 =	vld.idx.msk [tilespmem:v25+s3+$0x0], $0xffff;
	[tilespmem:s4+$0xFFFFFFE0] =	vst v30  }
0x224: {  	v22 =	vmul.f32 v22, v19;
	[tilespmem:s4+$0xFFFFFC60] =	vst v58;
	v25 =	vsub.f32 v26, v13;
	v26 =	vld [tilespmem:s5+$0xFFFFFFF0]  }
0x225: {  	[tilespmem:s4+$0xFFFFFD60] =	vst v23;
	v23 =	vmul.f32 v27, v16  }
0x226: {  	s26 =	simm.s32 $0x9;
	v28 =	vld [tilespmem:s5+$0xFFFFFC70];
	[tilespmem:s4+$0xFFFFFCE0] =	vst v22;
	v22 =	vmul.f32 v25, v17;
	v25 =	vsub.f32 v29, v13  }
0x227: {  	v27 =	vsub.f32 v31, v13;
	v31 =	vld [tilespmem:s5+$0xFFFFFD70];
	[tilespmem:s4+$0xFFFFFE60] =	vst v23;
	v30 =	vadd.s32 s26, v4  }
0x228: {  	v29 =	vld [tilespmem:s5+$0xFFFFFCF0];
	[tilespmem:s4+$0xFFFFFDE0] =	vst v22;
	v22 =	vmul.f32 v25, v14  }
0x229: {  	v59 =	vld [tilespmem:s5+$0xFFFFFE70];
	v23 =	vmul.f32 v27, v15;
	v26 =	vsub.f32 v26, v12  }
0x22a: {  	s26 =	simm.s32 $0xA;
	v25 =	vld [tilespmem:s5+$0xFFFFFDF0];
	[tilespmem:s4+$0xFFFFFEE0] =	vst v22  }
0x22b: {  	v27 =	vadd.s32 s26, v4;
	v60 =	vld [tilespmem:s5+$0xFFFFFEF0];
	[tilespmem:s4+$0xFFFFFF60] =	vst v23;
	v23 =	vmul.f32 v26, v24  }
0x22c: {  	v28 =	vsub.f32 v28, v12;
	v22 =	vld.idx.msk [tilespmem:v30+s3+$0x0], $0xffff  }
0x22d: {  	v26 =	vsub.f32 v29, v12;
	v29 =	vld [tilespmem:s5+$0xFFFFFF70];
	[tilespmem:s4+$0xFFFFFFF0] =	vst v23  }
0x22e: {  	v28 =	vmul.f32 v28, v20;
	v30 =	vsub.f32 v31, v12;
	v31 =	vld [tilespmem:s5+$0x0]  }
0x22f: {  	v25 =	vsub.f32 v25, v12;
	v26 =	vmul.f32 v26, v19  }
0x230: {  	[tilespmem:s4+$0xFFFFFC70] =	vst v28;
	v23 =	vld.idx.msk [tilespmem:v27+s3+$0x0], $0xffff;
	v27 =	vmul.f32 v30, v18;
	v30 =	vsub.f32 v59, v12  }
0x231: {  	v61 =	vld [tilespmem:s5+$0xFFFFFC80];
	v25 =	vmul.f32 v25, v17;
	[tilespmem:s4+$0xFFFFFCF0] =	vst v26;
	v26 =	vsub.f32 v60, v12  }
0x232: {  	s21 =	simm.s32 $0xB;
	[tilespmem:s4+$0xFFFFFD70] =	vst v27;
	v27 =	vmul.f32 v30, v16;
	v28 =	vld [tilespmem:s5+$0xFFFFFD00];
	v30 =	vsub.f32 v29, v12  }
0x233: {  	s26 =	simm.s32 $0xC;
	[tilespmem:s4+$0xFFFFFDF0] =	vst v25;
	v29 =	vld [tilespmem:s5+$0xFFFFFD80];
	v25 =	vmul.f32 v26, v14;
	v63 =	vsub.f32 v31, v11;
	v31 =	vadd.s32 s21, v4  }
0x234: {  	v32 =	vadd.s32 s26, v4;
	s26 =	simm.s32 $0xD;
	v26 =	vld [tilespmem:s5+$0xFFFFFE00];
	[tilespmem:s4+$0xFFFFFE70] =	vst v27;
	v62 =	vmul.f32 v30, v15  }
0x235: {  	v27 =	vld [tilespmem:s5+$0xFFFFFE80];
	v30 =	vadd.s32 s26, v4;
	[tilespmem:s4+$0xFFFFFEF0] =	vst v25  }
0x236: {  	v33 =	vsub.f32 v61, v11;
	s26 =	simm.s32 $0xF;
	s21 =	simm.s32 $0x10;
	v25 =	vld [tilespmem:s5+$0xFFFFFF00];
	[tilespmem:s4+$0xFFFFFF70] =	vst v62;
	v24 =	vmul.f32 v63, v24  }
.LBB2_9:
0x237: {  	p0 =	slt.u32 s21, $0x38;
	v34 =	vadd.s32 s26, v4;
	v28 =	vsub.f32 v28, v11;
	v35 =	vld [tilespmem:s5+$0xFFFFFF80]  }
0x238: {  	v31 =	vld.idx.msk [tilespmem:v31+s3+$0x0], $0xffff;
	v33 =	vmul.f32 v33, v20;
	v29 =	vsub.f32 v29, v11;
	[tilespmem:s4+$0x0] =	vst v24;
	v20 =	vmov v21  }
0x239: {  	v21 =	vld.idx.msk [tilespmem:v32+s3+$0x0], $0xffff;
	v24 =	vmul.f32 v28, v19;
	v26 =	vsub.f32 v26, v11;
	v19 =	vmov v22  }
0x23a: {  	s5 =	sadd.s32 $0x400, s5;
	v22 =	vld.idx.msk [tilespmem:v30+s3+$0x0], $0xffff;
	[tilespmem:s4+$0xFFFFFC80] =	vst v33;
	v28 =	vmul.f32 v29, v18;
	v27 =	vsub.f32 v27, v11;
	v18 =	vmov v23  }
0x23b: {  	v23 =	vld [tilespmem:s5+$0xFFFFFFE0];
	[tilespmem:s4+$0xFFFFFD00] =	vst v24;
	v29 =	vmul.f32 v26, v17;
	v25 =	vsub.f32 v25, v11  }
0x23c: {  	v24 =	vld.idx.msk [tilespmem:v34+s3+$0x0], $0xffff;
	[tilespmem:s4+$0xFFFFFD80] =	vst v28;
	v30 =	vmul.f32 v27, v16;
	v26 =	vsub.f32 v35, v11  }
0x23d: {  	v27 =	vld [tilespmem:s5+$0xFFFFFC60];
	[tilespmem:s4+$0xFFFFFE00] =	vst v29;
	v29 =	vmul.f32 v25, v14  }
0x23e: {  	s26 =	sadd.s32 $0x6, s18;
	s18 =	smov.u32 s21;
	v17 =	vmov v31;
	v25 =	vld [tilespmem:s5+$0xFFFFFCE0];
	[tilespmem:s4+$0xFFFFFE80] =	vst v30;
	v15 =	vmul.f32 v26, v15  }
0x23f: {  	v28 =	vadd.s32 s26, v4;
	v16 =	vmov v21;
	v26 =	vld [tilespmem:s5+$0xFFFFFD60];
	[tilespmem:s4+$0xFFFFFF00] =	vst v29  }
0x240: {  	v14 =	vmov v22;
	v21 =	vld [tilespmem:s5+$0xFFFFFDE0];
	v23 =	vsub.f32 v23, v13;
	[tilespmem:s4+$0xFFFFFF80] =	vst v15  }
0x241: {  	v22 =	vadd.s32 s21, v4;
	v29 =	vld [tilespmem:s5+$0xFFFFFE60]  }
0x242: {  	v15 =	vsub.f32 v27, v13;
	v27 =	vld [tilespmem:s5+$0xFFFFFEE0];
	v23 =	vmul.f32 v23, v24  }
0x243: {  	s4 =	sadd.s32 $0x400, s4;
	v25 =	vsub.f32 v25, v13;
	v30 =	vld [tilespmem:s5+$0xFFFFFF60]  }
0x244: {  	v31 =	vmul.f32 v15, v20;
	v26 =	vsub.f32 v26, v13;
	v15 =	vld.idx.msk [tilespmem:v28+s3+$0x0], $0xffff;
	[tilespmem:s4+$0xFFFFFFE0] =	vst v23  }
0x245: {  	v23 =	vmul.f32 v25, v19;
	v25 =	vsub.f32 v21, v13;
	v28 =	vld [tilespmem:s5+$0xFFFFFFF0]  }
0x246: {  	v21 =	vld.idx.msk [tilespmem:v22+s3+$0x0], $0xffff;
	[tilespmem:s4+$0xFFFFFC60] =	vst v31;
	v22 =	vmul.f32 v26, v18;
	v26 =	vsub.f32 v29, v13  }
0x247: {  	v29 =	vld [tilespmem:s5+$0xFFFFFC70];
	[tilespmem:s4+$0xFFFFFCE0] =	vst v23;
	v23 =	vmul.f32 v25, v17;
	v25 =	vsub.f32 v27, v13  }
0x248: {  	s26 =	sadd.s32 $0x1, s21;
	v27 =	vld [tilespmem:s5+$0xFFFFFCF0];
	[tilespmem:s4+$0xFFFFFD60] =	vst v22;
	v22 =	vmul.f32 v26, v16;
	v26 =	vsub.f32 v30, v13  }
0x249: {  	v30 =	vadd.s32 s26, v4;
	v31 =	vld [tilespmem:s5+$0xFFFFFD70];
	[tilespmem:s4+$0xFFFFFDE0] =	vst v23;
	v23 =	vmul.f32 v25, v14  }
0x24a: {  	s26 =	sadd.s32 $0x2, s21;
	v25 =	vld [tilespmem:s5+$0xFFFFFDF0];
	[tilespmem:s4+$0xFFFFFE60] =	vst v22;
	v22 =	vmul.f32 v26, v15;
	v26 =	vsub.f32 v28, v12  }
0x24b: {  	v28 =	vadd.s32 s26, v4;
	v32 =	vld [tilespmem:s5+$0xFFFFFE70];
	[tilespmem:s4+$0xFFFFFEE0] =	vst v23  }
0x24c: {  	v23 =	vsub.f32 v29, v12;
	v29 =	vld [tilespmem:s5+$0xFFFFFEF0];
	[tilespmem:s4+$0xFFFFFF60] =	vst v22;
	v26 =	vmul.f32 v26, v24  }
0x24d: {  	v27 =	vsub.f32 v27, v12;
	v33 =	vld [tilespmem:s5+$0xFFFFFF70]  }
0x24e: {  	v22 =	vld.idx.msk [tilespmem:v30+s3+$0x0], $0xffff;
	v30 =	vmul.f32 v23, v20;
	v31 =	vsub.f32 v31, v12;
	[tilespmem:s4+$0xFFFFFFF0] =	vst v26  }
0x24f: {  	v26 =	vmul.f32 v27, v19;
	v25 =	vsub.f32 v25, v12;
	v27 =	vld [tilespmem:s5+$0x0]  }
0x250: {  	v23 =	vld.idx.msk [tilespmem:v28+s3+$0x0], $0xffff;
	[tilespmem:s4+$0xFFFFFC70] =	vst v30;
	v30 =	vmul.f32 v31, v18;
	v31 =	vsub.f32 v32, v12  }
0x251: {  	v34 =	vld [tilespmem:s5+$0xFFFFFC80];
	[tilespmem:s4+$0xFFFFFCF0] =	vst v26;
	v25 =	vmul.f32 v25, v17;
	v26 =	vsub.f32 v29, v12  }
.Ltmp3:
0x252: {  	s26 =	sadd.s32 $0x3, s21;
	v28 =	vld [tilespmem:s5+$0xFFFFFD00];
	[tilespmem:s4+$0xFFFFFD70] =	vst v30;
	v30 =	vmul.f32 v31, v16;
	v33 =	vsub.f32 v33, v12;
	(pc) =	sbr.rel @p0 .LBB2_9-.Ltmp3, $4  }
0x253: {  	v31 =	vadd.s32 s26, v4;
	s26 =	sadd.s32 $0x4, s21;
	v29 =	vld [tilespmem:s5+$0xFFFFFD80];
	[tilespmem:s4+$0xFFFFFDF0] =	vst v25;
	v25 =	vmul.f32 v26, v14  }
0x254: {  	v32 =	vadd.s32 s26, v4;
	s26 =	sadd.s32 $0x5, s21;
	v26 =	vld [tilespmem:s5+$0xFFFFFE00];
	[tilespmem:s4+$0xFFFFFE70] =	vst v30;
	v35 =	vmul.f32 v33, v15;
	v36 =	vsub.f32 v27, v11  }
0x255: {  	v30 =	vadd.s32 s26, v4;
	v27 =	vld [tilespmem:s5+$0xFFFFFE80];
	[tilespmem:s4+$0xFFFFFEF0] =	vst v25  }
0x256: {  	s21 =	sadd.s32 $0x8, s21;
	s26 =	sadd.s32 $0x7, s18;
	v33 =	vsub.f32 v34, v11;
	v25 =	vld [tilespmem:s5+$0xFFFFFF00];
	[tilespmem:s4+$0xFFFFFF70] =	vst v35;
	v24 =	vmul.f32 v36, v24  }
0x257: {  	_ =	sdelay $0x3  }
0x258: {  	v31 =	vld.idx.msk [tilespmem:v31+s3+$0x0], $0xffff  }
0x259: {  	v32 =	vld.idx.msk [tilespmem:v32+s3+$0x0], $0xffff;
	s21 =	sadd.s32 $0x400, s5  }
0x25a: {  	v35 =	vld [tilespmem:s21+$0xFFFFFFE0]  }
0x25b: {  	v36 =	vld [tilespmem:s21+$0xFFFFFC60]  }
0x25c: {  	v37 =	vld [tilespmem:s21+$0xFFFFFCE0]  }
0x25d: {  	v34 =	vadd.s32 s26, v4;
	v38 =	vld [tilespmem:s21+$0xFFFFFD60]  }
0x25e: {  	v28 =	vsub.f32 v28, v11;
	s18 =	sadd.s32 $0x6, s18;
	v39 =	vld [tilespmem:s21+$0xFFFFFDE0]  }
0x25f: {  	v20 =	vmul.f32 v33, v20;
	v29 =	vsub.f32 v29, v11;
	v63 =	vadd.s32 s18, v4;
	v40 =	vld [tilespmem:s21+$0xFFFFFE60]  }
0x260: {  	[tilespmem:s4+$0x0] =	vst v24;
	v42 =	vld [tilespmem:s21+$0xFFFFFEE0];
	v19 =	vmul.f32 v28, v19;
	v41 =	vsub.f32 v36, v13  }
0x261: {  	v45 =	vld [tilespmem:s21+$0xFFFFFF60];
	[tilespmem:s4+$0xFFFFFC80] =	vst v20;
	v18 =	vmul.f32 v29, v18;
	v44 =	vsub.f32 v37, v13  }
0x262: {  	[tilespmem:s4+$0xFFFFFD00] =	vst v19;
	v34 =	vld.idx.msk [tilespmem:v34+s3+$0x0], $0xffff;
	v46 =	vsub.f32 v38, v13;
	v20 =	vmul.f32 v41, v21  }
0x263: {  	s26 =	sadd.s32 $0x400, s4;
	[tilespmem:s4+$0xFFFFFD80] =	vst v18;
	v18 =	vld.idx.msk [tilespmem:v30+s3+$0x0], $0xffff;
	v47 =	vsub.f32 v39, v13;
	v24 =	vmul.f32 v44, v22  }
0x264: {  	v19 =	vld.idx.msk [tilespmem:v63+s3+$0x0], $0xffff;
	v28 =	vsub.f32 v40, v13;
	v30 =	vmul.f32 v46, v23;
	[tilespmem:s26+$0xFFFFFC60] =	vst v20  }
0x265: {  	v35 =	vsub.f32 v35, v13;
	v33 =	vmul.f32 v47, v31;
	[tilespmem:s26+$0xFFFFFCE0] =	vst v24;
	v49 =	vld [tilespmem:s21+$0xFFFFFC70]  }
0x266: {  	v29 =	vsub.f32 v42, v13;
	v28 =	vmul.f32 v28, v32;
	[tilespmem:s26+$0xFFFFFD60] =	vst v30;
	v50 =	vld [tilespmem:s21+$0xFFFFFCF0]  }
0x267: {  	v51 =	vsub.f32 v45, v13;
	v43 =	vmul.f32 v35, v34;
	[tilespmem:s26+$0xFFFFFDE0] =	vst v33;
	v52 =	vld [tilespmem:s21+$0xFFFFFD70]  }
0x268: {  	v26 =	vsub.f32 v26, v11;
	v29 =	vmul.f32 v29, v18;
	[tilespmem:s26+$0xFFFFFE60] =	vst v28;
	v33 =	vld [tilespmem:s21+$0xFFFFFDF0]  }
0x269: {  	v27 =	vsub.f32 v27, v11;
	v13 =	vmul.f32 v51, v19;
	v53 =	vld [tilespmem:s21+$0xFFFFFE70];
	[tilespmem:s26+$0xFFFFFFE0] =	vst v43  }
0x26a: {  	v17 =	vmul.f32 v26, v17;
	[tilespmem:s26+$0xFFFFFEE0] =	vst v29;
	v48 =	vld [tilespmem:s21+$0xFFFFFFF0];
	v24 =	vsub.f32 v49, v12  }
0x26b: {  	v16 =	vmul.f32 v27, v16;
	v54 =	vld [tilespmem:s21+$0xFFFFFEF0];
	[tilespmem:s26+$0xFFFFFF60] =	vst v13;
	v56 =	vsub.f32 v50, v12  }
0x26c: {  	[tilespmem:s4+$0xFFFFFE00] =	vst v17;
	v57 =	vld [tilespmem:s21+$0xFFFFFF70];
	v59 =	vsub.f32 v52, v12;
	v58 =	vmul.f32 v24, v21  }
0x26d: {  	[tilespmem:s4+$0xFFFFFE80] =	vst v16;
	v62 =	vsub.f32 v33, v12;
	v61 =	vmul.f32 v56, v22  }
0x26e: {  	v60 =	vld [tilespmem:s5+$0xFFFFFF80];
	v33 =	vsub.f32 v53, v12;
	v30 =	vmul.f32 v59, v23;
	[tilespmem:s26+$0xFFFFFC70] =	vst v58  }
0x26f: {  	v20 =	vsub.f32 v48, v12;
	v36 =	vmul.f32 v62, v31;
	[tilespmem:s26+$0xFFFFFCF0] =	vst v61;
	v35 =	vld [tilespmem:s21+$0xFFFFFC80]  }
0x270: {  	v37 =	vsub.f32 v54, v12;
	v39 =	vmul.f32 v33, v32;
	[tilespmem:s26+$0xFFFFFD70] =	vst v30;
	v38 =	vld [tilespmem:s21+$0xFFFFFD00]  }
0x271: {  	v40 =	vsub.f32 v57, v12;
	v55 =	vmul.f32 v20, v34;
	[tilespmem:s26+$0xFFFFFDF0] =	vst v36;
	v42 =	vld [tilespmem:s21+$0xFFFFFD80]  }
0x272: {  	v41 =	vsub.f32 v25, v11;
	v43 =	vmul.f32 v37, v18;
	[tilespmem:s26+$0xFFFFFE70] =	vst v39;
	v45 =	vld [tilespmem:s21+$0xFFFFFE00]  }
0x273: {  	v44 =	vsub.f32 v60, v11;
	v12 =	vmul.f32 v40, v19;
	v47 =	vld [tilespmem:s21+$0xFFFFFE80];
	[tilespmem:s26+$0xFFFFFFF0] =	vst v55  }
0x274: {  	v14 =	vmul.f32 v41, v14;
	[tilespmem:s26+$0xFFFFFEF0] =	vst v43;
	v63 =	vld [tilespmem:s21+$0x0];
	v49 =	vsub.f32 v35, v11  }
0x275: {  	v48 =	vmul.f32 v44, v15;
	v50 =	vld [tilespmem:s21+$0xFFFFFF00];
	[tilespmem:s26+$0xFFFFFF70] =	vst v12;
	v52 =	vsub.f32 v38, v11  }
0x276: {  	[tilespmem:s4+$0xFFFFFF00] =	vst v14;
	v53 =	vld [tilespmem:s21+$0xFFFFFF80];
	v55 =	vsub.f32 v42, v11;
	v54 =	vmul.f32 v49, v21  }
0x277: {  	[tilespmem:s4+$0xFFFFFF80] =	vst v48;
	v57 =	vsub.f32 v45, v11;
	v56 =	vmul.f32 v52, v22  }
0x278: {  	v59 =	vsub.f32 v47, v11;
	v58 =	vmul.f32 v55, v23;
	[tilespmem:s26+$0xFFFFFC80] =	vst v54  }
0x279: {  	v46 =	vsub.f32 v63, v11;
	v60 =	vmul.f32 v57, v31;
	[tilespmem:s26+$0xFFFFFD00] =	vst v56  }
0x27a: {  	v61 =	vsub.f32 v50, v11;
	v62 =	vmul.f32 v59, v32;
	[tilespmem:s26+$0xFFFFFD80] =	vst v58  }
0x27b: {  	v11 =	vsub.f32 v53, v11;
	v51 =	vmul.f32 v46, v34;
	[tilespmem:s26+$0xFFFFFE00] =	vst v60  }
0x27c: {  	v63 =	vmul.f32 v61, v18;
	[tilespmem:s26+$0xFFFFFE80] =	vst v62  }
0x27d: {  	s12 =	sshll.u32 s12, $0xA;
	v11 =	vmul.f32 v11, v19;
	[tilespmem:s26+$0x0] =	vst v51  }
0x27e: {  	s4 =	sand.u32 $0xFFF800, s12;
	[tilespmem:s26+$0xFFFFFF00] =	vst v63  }
0x27f: {  	s18 =	sadd.s32 $0x3, s14;
	s4 =	sadd.s32 s8, s4;
	[tilespmem:s26+$0xFFFFFF80] =	vst v11  }
0x280: {  	[hbm4b:s4+s6] =	stream.linear.scatter [tilespmem:s28], [sflag:$0x8], $0x4000, $0x38;
	[tilespmem:$0x13E00] =	vst v63  }
0x281: {  	s4 =	smin.u32 s18, s9  }
0x282: {  	s13 =	sadd.s32 $0x1, s13;
	s4 =	sshll.u32 s4, $0x5  }
0x283: {  	p0 =	sne.s32 s13, $0x4F;
	s4 =	sor.u32 s7, s4  }
.Ltmp4:
0x284: {  	s21 =	sshll.u32 s4, $0x4;
	(pc) =	sbr.rel @p0 .LBB2_2-.Ltmp4, $4  }
0x285: {  	s4 =	sshll.u32 s4, $0x1;
	s5 =	sadd.s32 s2, s21  }
0x286: {  	v11 =	vadd.s32 s4, v3;
	[tilespmem:s20], [sflag:$0x2] =	stream.linear.gather [hbm4b:s5+s6], $0x80, $0x38;
	[tilespmem:$0x13E00] =	vst v63  }
0x287: {  	s26 =	simm.s32 $0x2900;
	[tilespmem:$0x2900] =	vst v11  }
0x288: {  	[tilespmem:s22], [sflag:$0x4] =	stream.indirect.gather [hbm4b:s1+s17], $0x80, s26, s17, $0xb8;
	[tilespmem:$0x13E00] =	vst v63  }
0x289: {  	_ =	swait.ge [sflag:s30], $0x4000  }
0x28a: {  	[sflag:s30] =	ssyncset.done $0x0  }
0x28b: {  	[sflag:s30] =	ssyncadd.s32 $0xFFFFC000  }
0x28c: {  	_ =	swait.ge [sflag:s29], $0x4000  }
0x28d: {  	[sflag:s29] =	ssyncset.done $0x0  }
0x28e: {  	[sflag:s29] =	ssyncadd.s32 $0xFFFFC000  }
0x28f: {  	_ =	swait.ge [sflag:s31], $0x80  }
0x290: {  	[sflag:s31] =	ssyncset.done $0x0  }
0x291: {  	[sflag:s31] =	ssyncadd.s32 $0xFFFFFF80  }
0x292: {  	_ =	swait.ge [sflag:s0], $0x800  }
0x293: {  	s5 =	rddreg [dreg:$0x9]  }
0x294: {  	s4 =	rddreg [dreg:$0x8];
	s5 =	sadd.s32 $0x1, s5  }
0x295: {  	p0 =	sne.s32 s5, s4  }
.Ltmp5:
0x296: {  	_ = 	snop;
	(pc) =	sbr.rel @p0 .LBB2_1-.Ltmp5, $3  }
0x297: {  	_ =	sdelay $0x1  }
0x298: {  	[sflag:s0] =	ssyncset.done $0x0  }
0x299: {  	[sflag:s0] =	ssyncadd.s32 $0xFFFFF800  }
0x29a: {  	_ =	sfence.sel $0x180000  }
0x29b: {  	[bflag:$0x0] =	sbarrier.arrive $0xFFFF  }
0x29c: {  	_ =	strace $0x90000047  }
0x29d: {  	s0 =	stileid.u32;
	[bflag:$0x2] =	sbarrier.arrive $0xFFFF  }
0x29e: {  	p0 =	sne.s32 s0, $0x0;
	s0 =	rddreg [dreg:$0x5]  }
0x29f: {  	s0 =	sadd.s32 @!p0 $0x100000, s0  }
0x2a0: {  	[sflag:s0] =	ssyncadd.tile.s32 @!p0 $0x1;
	_ =	shalt  }
.Lfunc_end2:
_tile_overlayer_lowered:
.L_overlay_start_2:
0x2a1: {  	(tag) =	ssettag $0x2  }
0x2a2: {  	s0 =	rddreg [dreg:$0x0];
	s2 =	stileid.u32  }
0x2a3: {  	s1 =	rddreg [dreg:$0x1];
	p0 =	sne.s32 s2, $0x0  }
0x2a4: {  	s3 =	rddreg [dreg:$0x2];
	[bflag:$0x3] =	sbarrier.arrive $0xFFFF;
	s2 =	simm.s32 @!p0 $0x1C09  }
0x2a5: {  	[timem:s3], [sflag:s2] =	dma.local @!p0 [hbm:s0], s1  }
0x2a6: {  	s0 =	simm.s32 @!p0 $0x9  }
0x2a7: {  	_ =	swait.ge @!p0 [sflag:s0], s1  }
0x2a8: {  	s1 =	ssub.s32 @!p0 $0x0, s1;
	[sflag:s0] =	ssyncset.done @!p0 $0x0  }
0x2a9: {  	[sflag:s0] =	ssyncadd.s32 @!p0 s1  }
0x2aa: {  	[bflag:$0x3] =	sbarrier.arrive $0xFFFF  }
0x2ab: {  	_ =	shalt  }

</sc_bundles>
